<compile_context>
chip_gen: v7x
topology: tpu7x:2x2x1
jax: 0.10.2.dev20260603
libtpu: 0.0.44.dev20260713+nightly
codegen_flags: <defaults>
</compile_context>

<pallas_src>
import functools

import jax
import jax.numpy as jnp
from jax.experimental import pallas as pl
from jax.experimental.pallas import tpu as pltpu
from jax.experimental.pallas import tpu_sc as plsc

N_INT = 2
NAB = 128
NF = 128
NG = 25
CUTOFF = 5.0
MAXZ = 100
B, A, NN = 8, 512, 64
BA = B * A
LN2 = 0.6931471805599453
TA = 128


_SC_NC, _SC_NS = 2, 16
_NW = _SC_NC * _SC_NS
_EDGES = BA * NN
_PER_W = _EDGES // _NW
_GC = 256


def _gather_body(y_hbm, idx_hbm, out_hbm, idx_v, rows_v,
                 gsem0, gsem1, osem0, osem1):
    wid = jax.lax.axis_index("s") * _SC_NC + jax.lax.axis_index("c")
    base = wid * _PER_W
    n = _PER_W // _GC
    gsems = (gsem0, gsem1)
    osems = (osem0, osem1)
    pltpu.sync_copy(idx_hbm.at[pl.ds(base, _PER_W)], idx_v)

    def gstart(j, b):
        pltpu.async_copy(y_hbm.at[idx_v.at[pl.ds(j * _GC, _GC)]], rows_v.at[b],
                         gsems[b])

    def gwait(j, b):
        pltpu.make_async_copy(y_hbm.at[idx_v.at[pl.ds(j * _GC, _GC)]],
                              rows_v.at[b], gsems[b]).wait()

    def ostart(j, b):
        pltpu.async_copy(rows_v.at[b], out_hbm.at[pl.ds(base + j * _GC, _GC)],
                         osems[b])

    def owait(b):
        pltpu.make_async_copy(rows_v.at[b], out_hbm.at[pl.ds(base, _GC)],
                              osems[b]).wait()

    gstart(0, 0)

    def outer(j2, carry):
        for b in range(2):
            j = j2 * 2 + b
            nb = 1 - b

            @pl.when(j + 1 < n)
            def _():
                @pl.when(j >= 1)
                def _():
                    owait(nb)

                gstart(j + 1, nb)

            gwait(j, b)
            ostart(j, b)
        return carry

    jax.lax.fori_loop(0, n // 2, outer, 0)
    owait(0)
    owait(1)


def _sc_gather(y, idx):
    k = pl.kernel(
        _gather_body,
        out_type=jax.ShapeDtypeStruct((_EDGES, NAB), jnp.float32),
        mesh=plsc.VectorSubcoreMesh(core_axis_name="c", subcore_axis_name="s"),
        compiler_params=pltpu.CompilerParams(needs_layout_passes=False),
        scratch_types=[
            pltpu.VMEM((_PER_W,), jnp.int32),
            pltpu.VMEM((2, _GC, NAB), jnp.float32),
            pltpu.SemaphoreType.DMA,
            pltpu.SemaphoreType.DMA,
            pltpu.SemaphoreType.DMA,
            pltpu.SemaphoreType.DMA,
        ],
    )
    return k(y, idx)


def _gd2_body(y_hbm, idx_hbm, px_hbm, py_hbm, pz_hbm, yj_hbm, d2_hbm,
              idx_v, rows_v, px_v, py_v, pz_v, d2_v,
              gsem0, gsem1, osem0, osem1):
    wid = jax.lax.axis_index("s") * _SC_NC + jax.lax.axis_index("c")
    base = wid * _PER_W
    n = _PER_W // _GC
    gsems = (gsem0, gsem1)
    osems = (osem0, osem1)
    pltpu.sync_copy(idx_hbm.at[pl.ds(base, _PER_W)], idx_v)
    pltpu.sync_copy(px_hbm, px_v)
    pltpu.sync_copy(py_hbm, py_v)
    pltpu.sync_copy(pz_hbm, pz_v)

    def gstart(j, b):
        pltpu.async_copy(y_hbm.at[idx_v.at[pl.ds(j * _GC, _GC)]], rows_v.at[b],
                         gsems[b])

    def gwait(j, b):
        pltpu.make_async_copy(y_hbm.at[idx_v.at[pl.ds(j * _GC, _GC)]],
                              rows_v.at[b], gsems[b]).wait()

    def ostart(j, b):
        pltpu.async_copy(rows_v.at[b], yj_hbm.at[pl.ds(base + j * _GC, _GC)],
                         osems[b])

    def owait(b):
        pltpu.make_async_copy(rows_v.at[b], yj_hbm.at[pl.ds(base, _GC)],
                              osems[b]).wait()

    gstart(0, 0)

    def outer(j2, carry):
        for b in range(2):
            j = j2 * 2 + b
            nb = 1 - b

            @pl.when(j + 1 < n)
            def _():
                @pl.when(j >= 1)
                def _():
                    owait(nb)

                gstart(j + 1, nb)

            def sub(k, c2):
                idx = idx_v[pl.ds(j * _GC + k * 16, 16)]
                av = jnp.full((16,), 0, dtype=jnp.int32) + (
                    (base + j * _GC + k * 16) // NN)
                xj = plsc.load_gather(px_v, [idx])
                yj = plsc.load_gather(py_v, [idx])
                zj = plsc.load_gather(pz_v, [idx])
                xi = plsc.load_gather(px_v, [av])
                yi = plsc.load_gather(py_v, [av])
                zi = plsc.load_gather(pz_v, [av])
                dx = xj - xi
                dy = yj - yi
                dz = zj - zi
                d2_v[pl.ds(k * 16, 16)] = dx * dx + dy * dy + dz * dz
                return c2

            jax.lax.fori_loop(0, _GC // 16, sub, 0)
            pltpu.sync_copy(d2_v, d2_hbm.at[pl.ds(base + j * _GC, _GC)])

            gwait(j, b)
            ostart(j, b)
        return carry

    jax.lax.fori_loop(0, n // 2, outer, 0)
    owait(0)
    owait(1)


def _sc_gather_d2(y, idx, px, py, pz):
    k = pl.kernel(
        _gd2_body,
        out_type=(
            jax.ShapeDtypeStruct((_EDGES, NAB), jnp.float32),
            jax.ShapeDtypeStruct((_EDGES,), jnp.float32),
        ),
        mesh=plsc.VectorSubcoreMesh(core_axis_name="c", subcore_axis_name="s"),
        compiler_params=pltpu.CompilerParams(needs_layout_passes=False),
        scratch_types=[
            pltpu.VMEM((_PER_W,), jnp.int32),
            pltpu.VMEM((2, _GC, NAB), jnp.float32),
            pltpu.VMEM((BA,), jnp.float32),
            pltpu.VMEM((BA,), jnp.float32),
            pltpu.VMEM((BA,), jnp.float32),
            pltpu.VMEM((_GC,), jnp.float32),
            pltpu.SemaphoreType.DMA,
            pltpu.SemaphoreType.DMA,
            pltpu.SemaphoreType.DMA,
            pltpu.SemaphoreType.DMA,
        ],
    )
    return k(y, idx, px, py, pz)


def _ssp(t):
    return jnp.maximum(t, 0.0) + jnp.log1p(jnp.exp(-jnp.abs(t))) - LN2


def _embed_body(z_ref, emb_ref, win_ref, x_ref, y_ref):
    z = z_ref[...]
    col = jax.lax.broadcasted_iota(jnp.int32, (BA, NAB), 1)
    onehot = (z == col).astype(jnp.float32)
    x = jnp.dot(onehot, emb_ref[...], preferred_element_type=jnp.float32)
    x_ref[...] = x
    y_ref[...] = jnp.dot(x, win_ref[...], preferred_element_type=jnp.float32)


def _embed_call(z_flat, emb_pad, win0):
    return pl.pallas_call(
        _embed_body,
        out_shape=(
            jax.ShapeDtypeStruct((BA, NAB), jnp.float32),
            jax.ShapeDtypeStruct((BA, NAB), jnp.float32),
        ),
    )(z_flat, emb_pad, win0)


def _interact_body(d2_ref, yj_ref, x_ref, wfn1_ref, wfn2_ref, wf2out_ref,
                   wdense_ref, winext_ref, xo_ref, yo_ref):
    width = CUTOFF / (NG - 1)
    coeff = -0.5 / (width * width)
    r = jnp.sqrt(jnp.maximum(d2_ref[...], 1e-10))
    offs = jax.lax.broadcasted_iota(
        jnp.int32, (TA, NN, NG), 2).astype(jnp.float32) * width
    diff = r[:, :, None] - offs
    f = jnp.exp(coeff * (diff * diff))
    f2 = f.reshape(TA * NN, NG)
    t1 = _ssp(jnp.dot(f2, wfn1_ref[...], preferred_element_type=jnp.float32))
    wf = jnp.dot(t1, wfn2_ref[...], preferred_element_type=jnp.float32)
    prod = wf * yj_ref[...]
    agg = prod.reshape(TA, NN, NAB).sum(axis=1)
    h = _ssp(jnp.dot(agg, wf2out_ref[...], preferred_element_type=jnp.float32))
    v = jnp.dot(h, wdense_ref[...], preferred_element_type=jnp.float32)
    xo = x_ref[...] + v
    xo_ref[...] = xo
    yo_ref[...] = jnp.dot(xo, winext_ref[...], preferred_element_type=jnp.float32)


def _interact_call(d2, yj, x, wfn1, wfn2, wf2out, wdense, winext):
    full = lambda k: pl.BlockSpec((k, NAB), lambda t: (0, 0))
    return pl.pallas_call(
        _interact_body,
        grid=(BA // TA,),
        in_specs=[
            pl.BlockSpec((TA, NN), lambda t: (t, 0)),
            pl.BlockSpec((TA * NN, NAB), lambda t: (t, 0)),
            pl.BlockSpec((TA, NAB), lambda t: (t, 0)),
            full(NG), full(NF), full(NF), full(NAB), full(NAB),
        ],
        out_specs=(
            pl.BlockSpec((TA, NAB), lambda t: (t, 0)),
            pl.BlockSpec((TA, NAB), lambda t: (t, 0)),
        ),
        out_shape=(
            jax.ShapeDtypeStruct((BA, NAB), jnp.float32),
            jax.ShapeDtypeStruct((BA, NAB), jnp.float32),
        ),
    )(d2, yj, x, wfn1, wfn2, wf2out, wdense, winext)


def kernel(atomic_numbers, positions, cell, cell_offset, neighbors, neighbor_mask,
           embedding, Wfn1, bfn1, Wfn2, bfn2, Win2f, Wf2out, bf2out, Wdense, bdense):
    z_flat = atomic_numbers.reshape(BA, 1).astype(jnp.int32)
    emb_pad = jnp.pad(embedding, ((0, NAB - MAXZ), (0, 0)))
    x, y = _embed_call(z_flat, emb_pad, Win2f[0])

    nbr_flat = (neighbors.astype(jnp.int32)
                + (jnp.arange(B, dtype=jnp.int32) * A)[:, None, None]).reshape(BA * NN)
    pos_flat = positions.reshape(BA, 3)

    for i in range(N_INT):
        if i == 0:
            yj, d2 = _sc_gather_d2(y, nbr_flat, pos_flat[:, 0],
                                   pos_flat[:, 1], pos_flat[:, 2])
            d2 = d2.reshape(BA, NN)
        else:
            yj = _sc_gather(y, nbr_flat)
        winext = Win2f[i + 1] if i + 1 < N_INT else Win2f[i]
        x, y = _interact_call(d2, yj, x, Wfn1[i], Wfn2[i],
                              Wf2out[i], Wdense[i], winext)
    return x.reshape(B, A, NAB)

# --- scband reference (transcript-rebuilt; emitter-appended) ---
"""Pipeline reference for scband-sch-net-16234976379045 (READ-ONLY COPY).

The authoritative reference and input builder live on the scoring server;
editing this copy changes nothing except your own understanding.
"""

import jax, jax.numpy as jnp
import numpy as np

N_INT = 2
NAB = 128
NF = 128
NG = 25
CUTOFF = 5.0
MAXZ = 100
B, A, NN = 8, 512, 64


def ssp(x):
    return jax.nn.softplus(x) - jnp.log(2.0)


def _gather(arr, idx):
    # per-batch gather: arr [B, A, d], idx [B, A, N] -> [B, A, N, d]
    return jax.vmap(lambda a, i: a[i])(arr, idx)


def setup_inputs(seed: int = 0):
    key = jax.random.key(seed)
    ks = jax.random.split(key, 14)
    atomic_numbers = jax.random.randint(ks[0], (B, A), 0, MAXZ)
    positions = jax.random.normal(ks[1], (B, A, 3), dtype=jnp.float32)
    cell = jnp.zeros((B, 3, 3), dtype=jnp.float32)
    cell_offset = jnp.zeros((B, A, NN, 3), dtype=jnp.float32)
    neighbors = jax.random.randint(ks[2], (B, A, NN), 0, A)
    neighbor_mask = jnp.ones((B, A, NN), dtype=jnp.float32)
    embedding = (jax.random.normal(ks[3], (MAXZ, NAB), dtype=jnp.float32) * 0.05).at[0].set(0.0)
    Wfn1 = jax.random.normal(ks[4], (N_INT, NG, NF), dtype=jnp.float32) * 0.1
    bfn1 = jnp.zeros((N_INT, NF), dtype=jnp.float32)
    Wfn2 = jax.random.normal(ks[5], (N_INT, NF, NF), dtype=jnp.float32) * 0.05
    bfn2 = jnp.zeros((N_INT, NF), dtype=jnp.float32)
    Win2f = jax.random.normal(ks[6], (N_INT, NAB, NF), dtype=jnp.float32) * 0.05
    Wf2out = jax.random.normal(ks[7], (N_INT, NF, NAB), dtype=jnp.float32) * 0.05
    bf2out = jnp.zeros((N_INT, NAB), dtype=jnp.float32)
    Wdense = jax.random.normal(ks[8], (N_INT, NAB, NAB), dtype=jnp.float32) * 0.05
    bdense = jnp.zeros((N_INT, NAB), dtype=jnp.float32)
    return dict(atomic_numbers=atomic_numbers, positions=positions, cell=cell,
                cell_offset=cell_offset, neighbors=neighbors, neighbor_mask=neighbor_mask,
                embedding=embedding, Wfn1=Wfn1, bfn1=bfn1, Wfn2=Wfn2, bfn2=bfn2,
                Win2f=Win2f, Wf2out=Wf2out, bf2out=bf2out, Wdense=Wdense, bdense=bdense)


def reference(atomic_numbers, positions, cell, cell_offset, neighbors, neighbor_mask,
              embedding, Wfn1, bfn1, Wfn2, bfn2, Win2f, Wf2out, bf2out, Wdense, bdense):
    # embedding lookup (padding_idx=0 row is zero)
    x = embedding[atomic_numbers]
    # AtomDistances
    pos_j = _gather(positions, neighbors)
    offsets = jnp.einsum('bank,bkl->banl', cell_offset, cell)
    dist_vec = pos_j + offsets - positions[:, :, None, :]
    d2 = jnp.sum(dist_vec * dist_vec, axis=-1)
    r_ij = jnp.sqrt(jnp.maximum(d2, 1e-10))
    # GaussianSmearing
    offs = jnp.linspace(0.0, CUTOFF, NG)
    width = offs[1] - offs[0]
    coeff = -0.5 / (width * width)
    f_ij = jnp.exp(coeff * (r_ij[..., None] - offs) ** 2)
    # interaction blocks
    for i in range(N_INT):
        # filter network: Dense(ssp) -> Dense
        Wf = ssp(f_ij @ Wfn1[i] + bfn1[i]) @ Wfn2[i] + bfn2[i]
        # CFConv: in2f (no bias), gather neighbors, elementwise filter, masked sum, f2out (ssp)
        y = x @ Win2f[i]
        y_j = _gather(y, neighbors)
        agg = jnp.sum(y_j * Wf * neighbor_mask[..., None], axis=2)
        h = ssp(agg @ Wf2out[i] + bf2out[i])
        # interaction output dense + residual
        v = h @ Wdense[i] + bdense[i]
        x = x + v
    return x

if __name__ == "__main__":
    import jax
    _d = setup_inputs()
    print(jax.jit(kernel)(*tuple(_d.values())))

</pallas_src>

<mosaic_0001>
#map = affine_map<(d0, d1) -> (0, 0)>
#map1 = affine_map<(d0, d1) -> (0)>
module attributes {stable_mosaic.version = 14 : i64} {
  func.func @_gd2_body(%arg0: i32, %arg1: i32, %arg2: memref<4096x128xf32, #tpu.memory_space<hbm>>, %arg3: memref<262144xi32, #tpu.memory_space<hbm>>, %arg4: memref<4096xf32, #tpu.memory_space<hbm>>, %arg5: memref<4096xf32, #tpu.memory_space<hbm>>, %arg6: memref<4096xf32, #tpu.memory_space<hbm>>, %arg7: memref<262144x128xf32, #tpu.memory_space<hbm>>, %arg8: memref<262144xf32, #tpu.memory_space<hbm>>, %arg9: memref<8192xi32, #tpu.memory_space<vmem>>, %arg10: memref<2x256x128xf32, #tpu.memory_space<vmem>>, %arg11: memref<4096xf32, #tpu.memory_space<vmem>>, %arg12: memref<4096xf32, #tpu.memory_space<vmem>>, %arg13: memref<4096xf32, #tpu.memory_space<vmem>>, %arg14: memref<256xf32, #tpu.memory_space<vmem>>, %arg15: memref<!tpu.dma_semaphore, #tpu.memory_space<semaphore_mem>>, %arg16: memref<!tpu.dma_semaphore, #tpu.memory_space<semaphore_mem>>, %arg17: memref<!tpu.dma_semaphore, #tpu.memory_space<semaphore_mem>>, %arg18: memref<!tpu.dma_semaphore, #tpu.memory_space<semaphore_mem>>) attributes {dimension_semantics = [#tpu.dimension_semantics<core_parallel>, #tpu.dimension_semantics<subcore_parallel>], iteration_bounds = array<i64: 2, 16>, scalar_prefetch = 0 : i64, scratch_operands = 10 : i64, tpu.core_type = #tpu.core_type<sc_vector_subcore>, window_params = [{transform_indices = #map}, {transform_indices = #map1}, {transform_indices = #map1}, {transform_indices = #map1}, {transform_indices = #map1}, {transform_indices = #map}, {transform_indices = #map1}]} {
    %mul3A = arith.constant 2 : i32
    %mul3A_0 = arith.muli %arg1, %mul3A : i32
    %add3A = arith.addi %mul3A_0, %arg0 : i32
    %mul3A_1 = arith.constant 8192 : i32
    %mul3A_2 = arith.muli %add3A, %mul3A_1 : i32
    "tpu.region"() ({
      %run_scoped3A = tpu.sem_alloc : memref<!tpu.dma_semaphore, #tpu.memory_space<semaphore_mem>>
      %dma_start3A_42 = tpu.memref_slice %arg3[%mul3A_2] : memref<262144xi32, #tpu.memory_space<hbm>> -> memref<8192xi32, #tpu.memory_space<hbm>>
      %dma_start3A_43 = tpu.memref_slice %arg3[%mul3A_2] : memref<262144xi32, #tpu.memory_space<hbm>> -> memref<8192xi32, #tpu.memory_space<hbm>>
      tpu.enqueue_dma source(%dma_start3A_43 : memref<8192xi32, #tpu.memory_space<hbm>>) target(%arg9 : memref<8192xi32, #tpu.memory_space<vmem>>) target_semaphore(%run_scoped3A : memref<!tpu.dma_semaphore, #tpu.memory_space<semaphore_mem>>)
      %dma_wait3A_44 = tpu.memref_slice %arg3[%mul3A_2] : memref<262144xi32, #tpu.memory_space<hbm>> -> memref<8192xi32, #tpu.memory_space<hbm>>
      %dma_wait3A_45 = tpu.memref_slice %arg3[%mul3A_2] : memref<262144xi32, #tpu.memory_space<hbm>> -> memref<8192xi32, #tpu.memory_space<hbm>>
      tpu.wait_dma2 semaphore(%run_scoped3A : memref<!tpu.dma_semaphore, #tpu.memory_space<semaphore_mem>>) src(%dma_wait3A_45 : memref<8192xi32, #tpu.memory_space<hbm>>) dst(%arg9 : memref<8192xi32, #tpu.memory_space<vmem>>)
      tpu.yield
    }) : () -> ()
    "tpu.region"() ({
      %run_scoped3A = tpu.sem_alloc : memref<!tpu.dma_semaphore, #tpu.memory_space<semaphore_mem>>
      tpu.enqueue_dma source(%arg4 : memref<4096xf32, #tpu.memory_space<hbm>>) target(%arg11 : memref<4096xf32, #tpu.memory_space<vmem>>) target_semaphore(%run_scoped3A : memref<!tpu.dma_semaphore, #tpu.memory_space<semaphore_mem>>)
      tpu.wait_dma2 semaphore(%run_scoped3A : memref<!tpu.dma_semaphore, #tpu.memory_space<semaphore_mem>>) src(%arg4 : memref<4096xf32, #tpu.memory_space<hbm>>) dst(%arg11 : memref<4096xf32, #tpu.memory_space<vmem>>)
      tpu.yield
    }) : () -> ()
    "tpu.region"() ({
      %run_scoped3A = tpu.sem_alloc : memref<!tpu.dma_semaphore, #tpu.memory_space<semaphore_mem>>
      tpu.enqueue_dma source(%arg5 : memref<4096xf32, #tpu.memory_space<hbm>>) target(%arg12 : memref<4096xf32, #tpu.memory_space<vmem>>) target_semaphore(%run_scoped3A : memref<!tpu.dma_semaphore, #tpu.memory_space<semaphore_mem>>)
      tpu.wait_dma2 semaphore(%run_scoped3A : memref<!tpu.dma_semaphore, #tpu.memory_space<semaphore_mem>>) src(%arg5 : memref<4096xf32, #tpu.memory_space<hbm>>) dst(%arg12 : memref<4096xf32, #tpu.memory_space<vmem>>)
      tpu.yield
    }) : () -> ()
    "tpu.region"() ({
      %run_scoped3A = tpu.sem_alloc : memref<!tpu.dma_semaphore, #tpu.memory_space<semaphore_mem>>
      tpu.enqueue_dma source(%arg6 : memref<4096xf32, #tpu.memory_space<hbm>>) target(%arg13 : memref<4096xf32, #tpu.memory_space<vmem>>) target_semaphore(%run_scoped3A : memref<!tpu.dma_semaphore, #tpu.memory_space<semaphore_mem>>)
      tpu.wait_dma2 semaphore(%run_scoped3A : memref<!tpu.dma_semaphore, #tpu.memory_space<semaphore_mem>>) src(%arg6 : memref<4096xf32, #tpu.memory_space<hbm>>) dst(%arg13 : memref<4096xf32, #tpu.memory_space<vmem>>)
      tpu.yield
    }) : () -> ()
    %dma_start3A = arith.constant 0 : i32
    %dma_start3A_3 = arith.constant 0 : i32
    %dma_start3A_4 = arith.constant 0 : i32
    %dma_start3A_5 = tpu.memref_slice %arg10[%dma_start3A, %dma_start3A_3, %dma_start3A_4] : memref<2x256x128xf32, #tpu.memory_space<vmem>> -> memref<1x256x128xf32, #tpu.memory_space<vmem>>
    %dma_start3A_6 = tpu.memref_squeeze %dma_start3A_5 : memref<1x256x128xf32, #tpu.memory_space<vmem>> -> memref<256x128xf32, #tpu.memory_space<vmem>>
    %dma_start3A_7 = arith.constant 0 : i32
    %dma_start3A_8 = tpu.memref_slice %arg9[%dma_start3A_7] : memref<8192xi32, #tpu.memory_space<vmem>> -> memref<256xi32, #tpu.memory_space<vmem>>
    %dma_start3A_9 = arith.constant 0 : i32
    %dma_start3A_10 = arith.constant 0 : i32
    %dma_start3A_11 = tpu.memref_slice %arg2[%dma_start3A_9, %dma_start3A_10] : memref<4096x128xf32, #tpu.memory_space<hbm>> -> memref<4096x128xf32, #tpu.memory_space<hbm>>
    tpu.enqueue_indirect_dma source(%dma_start3A_11 : memref<4096x128xf32, #tpu.memory_space<hbm>>) target(%dma_start3A_6 : memref<256x128xf32, #tpu.memory_space<vmem>>) offsets(%dma_start3A_8 : memref<256xi32, #tpu.memory_space<vmem>>) semaphore(%arg15 : memref<!tpu.dma_semaphore, #tpu.memory_space<semaphore_mem>>)
    %scan3A = arith.constant 0 : i32
    %scan3A_12 = arith.constant 0 : i32
    %scan3A_13 = arith.constant 16 : i32
    %scan3A_14 = arith.addi %scan3A_12, %scan3A_13 : i32
    %scan3A_15 = arith.constant 1 : i32
    scf.for %scan3A_42 = %scan3A_12 to %scan3A_14 step %scan3A_15  : i32 {
      %mul3A_43 = arith.constant 2 : i32
      %mul3A_44 = arith.muli %scan3A_42, %mul3A_43 : i32
      %add3A_45 = arith.constant 0 : i32
      %add3A_46 = arith.addi %mul3A_44, %add3A_45 : i32
      %add3A_47 = arith.constant 1 : i32
      %add3A_48 = arith.addi %add3A_46, %add3A_47 : i32
      %lt3A = arith.constant 32 : i32
      %lt3A_49 = arith.cmpi slt, %add3A_48, %lt3A : i32
      %convert_element_type3A = arith.extui %lt3A_49 : i1 to i32
      %cond3A = arith.constant 0 : i32
      %cond3A_50 = arith.cmpi ne, %convert_element_type3A, %cond3A : i32
      scf.if %cond3A_50 {
        %ge3A = arith.constant 1 : i32
        %ge3A_134 = arith.cmpi sge, %add3A_46, %ge3A : i32
        %convert_element_type3A_135 = arith.extui %ge3A_134 : i1 to i32
        %cond3A_136 = arith.constant 0 : i32
        %cond3A_137 = arith.cmpi ne, %convert_element_type3A_135, %cond3A_136 : i32
        scf.if %cond3A_137 {
          %dma_wait3A_151 = arith.constant 1 : i32
          %dma_wait3A_152 = arith.constant 0 : i32
          %dma_wait3A_153 = arith.constant 0 : i32
          %dma_wait3A_154 = tpu.memref_slice %arg10[%dma_wait3A_151, %dma_wait3A_152, %dma_wait3A_153] : memref<2x256x128xf32, #tpu.memory_space<vmem>> -> memref<1x256x128xf32, #tpu.memory_space<vmem>>
          %dma_wait3A_155 = tpu.memref_squeeze %dma_wait3A_154 : memref<1x256x128xf32, #tpu.memory_space<vmem>> -> memref<256x128xf32, #tpu.memory_space<vmem>>
          %dma_wait3A_156 = arith.constant 0 : i32
          %dma_wait3A_157 = tpu.memref_slice %arg7[%mul3A_2, %dma_wait3A_156] : memref<262144x128xf32, #tpu.memory_space<hbm>> -> memref<256x128xf32, #tpu.memory_space<hbm>>
          %dma_wait3A_158 = arith.constant 0 : i32
          %dma_wait3A_159 = tpu.memref_slice %arg7[%mul3A_2, %dma_wait3A_158] : memref<262144x128xf32, #tpu.memory_space<hbm>> -> memref<256x128xf32, #tpu.memory_space<hbm>>
          %dma_wait3A_160 = arith.constant 0 : i32
          %dma_wait3A_161 = arith.constant 0 : i32
          %dma_wait3A_162 = tpu.memref_slice %arg10[%dma_wait3A_151, %dma_wait3A_160, %dma_wait3A_161] : memref<2x256x128xf32, #tpu.memory_space<vmem>> -> memref<1x256x128xf32, #tpu.memory_space<vmem>>
          %dma_wait3A_163 = tpu.memref_squeeze %dma_wait3A_162 : memref<1x256x128xf32, #tpu.memory_space<vmem>> -> memref<256x128xf32, #tpu.memory_space<vmem>>
          tpu.wait_dma2 semaphore(%arg18 : memref<!tpu.dma_semaphore, #tpu.memory_space<semaphore_mem>>) src(%dma_wait3A_163 : memref<256x128xf32, #tpu.memory_space<vmem>>) dst(%dma_wait3A_159 : memref<256x128xf32, #tpu.memory_space<hbm>>)
        } else {
        }
        %add3A_138 = arith.constant 1 : i32
        %add3A_139 = arith.addi %add3A_46, %add3A_138 : i32
        %mul3A_140 = arith.constant 256 : i32
        %mul3A_141 = arith.muli %add3A_139, %mul3A_140 : i32
        %dma_start3A_142 = arith.constant 1 : i32
        %dma_start3A_143 = arith.constant 0 : i32
        %dma_start3A_144 = arith.constant 0 : i32
        %dma_start3A_145 = tpu.memref_slice %arg10[%dma_start3A_142, %dma_start3A_143, %dma_start3A_144] : memref<2x256x128xf32, #tpu.memory_space<vmem>> -> memref<1x256x128xf32, #tpu.memory_space<vmem>>
        %dma_start3A_146 = tpu.memref_squeeze %dma_start3A_145 : memref<1x256x128xf32, #tpu.memory_space<vmem>> -> memref<256x128xf32, #tpu.memory_space<vmem>>
        %dma_start3A_147 = tpu.memref_slice %arg9[%mul3A_141] : memref<8192xi32, #tpu.memory_space<vmem>> -> memref<256xi32, #tpu.memory_space<vmem>>
        %dma_start3A_148 = arith.constant 0 : i32
        %dma_start3A_149 = arith.constant 0 : i32
        %dma_start3A_150 = tpu.memref_slice %arg2[%dma_start3A_148, %dma_start3A_149] : memref<4096x128xf32, #tpu.memory_space<hbm>> -> memref<4096x128xf32, #tpu.memory_space<hbm>>
        tpu.enqueue_indirect_dma source(%dma_start3A_150 : memref<4096x128xf32, #tpu.memory_space<hbm>>) target(%dma_start3A_146 : memref<256x128xf32, #tpu.memory_space<vmem>>) offsets(%dma_start3A_147 : memref<256xi32, #tpu.memory_space<vmem>>) semaphore(%arg16 : memref<!tpu.dma_semaphore, #tpu.memory_space<semaphore_mem>>)
      } else {
      }
      %scan3A_51 = arith.constant 0 : i32
      %scan3A_52 = arith.constant 0 : i32
      %scan3A_53 = arith.constant 16 : i32
      %scan3A_54 = arith.addi %scan3A_52, %scan3A_53 : i32
      %scan3A_55 = arith.constant 1 : i32
      scf.for %scan3A_134 = %scan3A_52 to %scan3A_54 step %scan3A_55  : i32 {
        %mul3A_135 = arith.constant 256 : i32
        %mul3A_136 = arith.muli %add3A_46, %mul3A_135 : i32
        %mul3A_137 = arith.constant 16 : i32
        %mul3A_138 = arith.muli %scan3A_134, %mul3A_137 : i32
        %add3A_139 = arith.addi %mul3A_136, %mul3A_138 : i32
        %get3A = arith.index_cast %add3A_139 : i32 to index
        %get3A_140 = tpu.vector_load %arg9[%get3A] {strides = array<i32>} : memref<8192xi32, #tpu.memory_space<vmem>>, vector<16xi32>,
        %broadcast_in_dim3A = arith.constant 0 : i32
        %broadcast_in_dim3A_141 = vector.broadcast %broadcast_in_dim3A : i32 to vector<16xi32>
        %mul3A_142 = arith.constant 256 : i32
        %mul3A_143 = arith.muli %add3A_46, %mul3A_142 : i32
        %add3A_144 = arith.addi %mul3A_2, %mul3A_143 : i32
        %mul3A_145 = arith.constant 16 : i32
        %mul3A_146 = arith.muli %scan3A_134, %mul3A_145 : i32
        %add3A_147 = arith.addi %add3A_144, %mul3A_146 : i32
        %jit3A = arith.constant 64 : i32
        %div3A = arith.divsi %add3A_147, %jit3A : i32
        %sign3A = arith.constant 0 : i32
        %sign3A_148 = arith.cmpi sgt, %add3A_147, %sign3A : i32
        %sign3A_149 = arith.extui %sign3A_148 : i1 to i32
        %sign3A_150 = arith.constant 0 : i32
        %sign3A_151 = arith.cmpi slt, %add3A_147, %sign3A_150 : i32
        %sign3A_152 = arith.extui %sign3A_151 : i1 to i32
        %sign3A_153 = arith.subi %sign3A_149, %sign3A_152 : i32
        %sign3A_154 = arith.constant 0 : i32
        %sign3A_155 = arith.cmpi sgt, %jit3A, %sign3A_154 : i32
        %sign3A_156 = arith.extui %sign3A_155 : i1 to i32
        %sign3A_157 = arith.constant 0 : i32
        %sign3A_158 = arith.cmpi slt, %jit3A, %sign3A_157 : i32
        %sign3A_159 = arith.extui %sign3A_158 : i1 to i32
        %sign3A_160 = arith.subi %sign3A_156, %sign3A_159 : i32
        %ne3A = arith.cmpi ne, %sign3A_153, %sign3A_160 : i32
        %rem3A = arith.remsi %add3A_147, %jit3A : i32
        %ne3A_161 = arith.constant 0 : i32
        %ne3A_162 = arith.cmpi ne, %rem3A, %ne3A_161 : i32
        %and3A = arith.andi %ne3A, %ne3A_162 : i1
        %sub3A = arith.constant 1 : i32
        %sub3A_163 = arith.subi %div3A, %sub3A : i32
        %select_n3A = arith.select %and3A, %sub3A_163, %div3A : i32
        %add3A_164 = vector.broadcast %select_n3A : i32 to vector<16xi32>
        %add3A_165 = arith.addi %broadcast_in_dim3A_141, %add3A_164 : vector<16xi32>
        %gather3A = tpu.vector_load_idx %arg11[%get3A_140] : memref<4096xf32, #tpu.memory_space<vmem>>[vector<16xi32>], vector<16xf32>,
        %gather3A_166 = tpu.vector_load_idx %arg12[%get3A_140] : memref<4096xf32, #tpu.memory_space<vmem>>[vector<16xi32>], vector<16xf32>,
        %gather3A_167 = tpu.vector_load_idx %arg13[%get3A_140] : memref<4096xf32, #tpu.memory_space<vmem>>[vector<16xi32>], vector<16xf32>,
        %gather3A_168 = tpu.vector_load_idx %arg11[%add3A_165] : memref<4096xf32, #tpu.memory_space<vmem>>[vector<16xi32>], vector<16xf32>,
        %gather3A_169 = tpu.vector_load_idx %arg12[%add3A_165] : memref<4096xf32, #tpu.memory_space<vmem>>[vector<16xi32>], vector<16xf32>,
        %gather3A_170 = tpu.vector_load_idx %arg13[%add3A_165] : memref<4096xf32, #tpu.memory_space<vmem>>[vector<16xi32>], vector<16xf32>,
        %sub3A_171 = arith.subf %gather3A, %gather3A_168 : vector<16xf32>
        %sub3A_172 = arith.subf %gather3A_166, %gather3A_169 : vector<16xf32>
        %sub3A_173 = arith.subf %gather3A_167, %gather3A_170 : vector<16xf32>
        %mul3A_174 = arith.mulf %sub3A_171, %sub3A_171 : vector<16xf32>
        %mul3A_175 = arith.mulf %sub3A_172, %sub3A_172 : vector<16xf32>
        %add3A_176 = arith.addf %mul3A_174, %mul3A_175 : vector<16xf32>
        %mul3A_177 = arith.mulf %sub3A_173, %sub3A_173 : vector<16xf32>
        %add3A_178 = arith.addf %add3A_176, %mul3A_177 : vector<16xf32>
        %mul3A_179 = arith.constant 16 : i32
        %mul3A_180 = arith.muli %scan3A_134, %mul3A_179 : i32
        %swap3A = arith.index_cast %mul3A_180 : i32 to index
        %swap3A_181 = tpu.vector_load %arg14[%swap3A] {strides = array<i32>} : memref<256xf32, #tpu.memory_space<vmem>>, vector<16xf32>,
        tpu.vector_store %arg14[%swap3A], %add3A_178 {strides = array<i32>} : memref<256xf32, #tpu.memory_space<vmem>>, vector<16xf32>,
      }
      %scan3A_56 = arith.constant 16 : i32
      %mul3A_57 = arith.constant 256 : i32
      %mul3A_58 = arith.muli %add3A_46, %mul3A_57 : i32
      %add3A_59 = arith.addi %mul3A_2, %mul3A_58 : i32
      "tpu.region"() ({
        %run_scoped3A = tpu.sem_alloc : memref<!tpu.dma_semaphore, #tpu.memory_space<semaphore_mem>>
        %dma_start3A_134 = tpu.memref_slice %arg8[%add3A_59] : memref<262144xf32, #tpu.memory_space<hbm>> -> memref<256xf32, #tpu.memory_space<hbm>>
        %dma_start3A_135 = tpu.memref_slice %arg8[%add3A_59] : memref<262144xf32, #tpu.memory_space<hbm>> -> memref<256xf32, #tpu.memory_space<hbm>>
        tpu.enqueue_dma source(%arg14 : memref<256xf32, #tpu.memory_space<vmem>>) target(%dma_start3A_135 : memref<256xf32, #tpu.memory_space<hbm>>) target_semaphore(%run_scoped3A : memref<!tpu.dma_semaphore, #tpu.memory_space<semaphore_mem>>)
        %dma_wait3A_136 = tpu.memref_slice %arg8[%add3A_59] : memref<262144xf32, #tpu.memory_space<hbm>> -> memref<256xf32, #tpu.memory_space<hbm>>
        %dma_wait3A_137 = tpu.memref_slice %arg8[%add3A_59] : memref<262144xf32, #tpu.memory_space<hbm>> -> memref<256xf32, #tpu.memory_space<hbm>>
        tpu.wait_dma2 semaphore(%run_scoped3A : memref<!tpu.dma_semaphore, #tpu.memory_space<semaphore_mem>>) src(%arg14 : memref<256xf32, #tpu.memory_space<vmem>>) dst(%dma_wait3A_137 : memref<256xf32, #tpu.memory_space<hbm>>)
        tpu.yield
      }) : () -> ()
      %mul3A_60 = arith.constant 256 : i32
      %mul3A_61 = arith.muli %add3A_46, %mul3A_60 : i32
      %dma_wait3A_62 = arith.constant 0 : i32
      %dma_wait3A_63 = arith.constant 0 : i32
      %dma_wait3A_64 = arith.constant 0 : i32
      %dma_wait3A_65 = tpu.memref_slice %arg10[%dma_wait3A_62, %dma_wait3A_63, %dma_wait3A_64] : memref<2x256x128xf32, #tpu.memory_space<vmem>> -> memref<1x256x128xf32, #tpu.memory_space<vmem>>
      %dma_wait3A_66 = tpu.memref_squeeze %dma_wait3A_65 : memref<1x256x128xf32, #tpu.memory_space<vmem>> -> memref<256x128xf32, #tpu.memory_space<vmem>>
      %dma_wait3A_67 = tpu.memref_slice %arg9[%mul3A_61] : memref<8192xi32, #tpu.memory_space<vmem>> -> memref<256xi32, #tpu.memory_space<vmem>>
      %dma_wait3A_68 = arith.constant 0 : i32
      %dma_wait3A_69 = arith.constant 0 : i32
      %dma_wait3A_70 = tpu.memref_slice %arg2[%dma_wait3A_68, %dma_wait3A_69] : memref<4096x128xf32, #tpu.memory_space<hbm>> -> memref<4096x128xf32, #tpu.memory_space<hbm>>
      tpu.wait_indirect_dma semaphore(%arg15 : memref<!tpu.dma_semaphore, #tpu.memory_space<semaphore_mem>>) src(%dma_wait3A_70 : memref<4096x128xf32, #tpu.memory_space<hbm>>) dst(%dma_wait3A_66 : memref<256x128xf32, #tpu.memory_space<vmem>>)
      %mul3A_71 = arith.constant 256 : i32
      %mul3A_72 = arith.muli %add3A_46, %mul3A_71 : i32
      %add3A_73 = arith.addi %mul3A_2, %mul3A_72 : i32
      %dma_start3A_74 = arith.constant 0 : i32
      %dma_start3A_75 = arith.constant 0 : i32
      %dma_start3A_76 = arith.constant 0 : i32
      %dma_start3A_77 = tpu.memref_slice %arg10[%dma_start3A_74, %dma_start3A_75, %dma_start3A_76] : memref<2x256x128xf32, #tpu.memory_space<vmem>> -> memref<1x256x128xf32, #tpu.memory_space<vmem>>
      %dma_start3A_78 = tpu.memref_squeeze %dma_start3A_77 : memref<1x256x128xf32, #tpu.memory_space<vmem>> -> memref<256x128xf32, #tpu.memory_space<vmem>>
      %dma_start3A_79 = arith.constant 0 : i32
      %dma_start3A_80 = tpu.memref_slice %arg7[%add3A_73, %dma_start3A_79] : memref<262144x128xf32, #tpu.memory_space<hbm>> -> memref<256x128xf32, #tpu.memory_space<hbm>>
      %dma_start3A_81 = arith.constant 0 : i32
      %dma_start3A_82 = tpu.memref_slice %arg7[%add3A_73, %dma_start3A_81] : memref<262144x128xf32, #tpu.memory_space<hbm>> -> memref<256x128xf32, #tpu.memory_space<hbm>>
      %dma_start3A_83 = arith.constant 0 : i32
      %dma_start3A_84 = arith.constant 0 : i32
      %dma_start3A_85 = tpu.memref_slice %arg10[%dma_start3A_74, %dma_start3A_83, %dma_start3A_84] : memref<2x256x128xf32, #tpu.memory_space<vmem>> -> memref<1x256x128xf32, #tpu.memory_space<vmem>>
      %dma_start3A_86 = tpu.memref_squeeze %dma_start3A_85 : memref<1x256x128xf32, #tpu.memory_space<vmem>> -> memref<256x128xf32, #tpu.memory_space<vmem>>
      tpu.enqueue_dma source(%dma_start3A_86 : memref<256x128xf32, #tpu.memory_space<vmem>>) target(%dma_start3A_82 : memref<256x128xf32, #tpu.memory_space<hbm>>) target_semaphore(%arg17 : memref<!tpu.dma_semaphore, #tpu.memory_space<semaphore_mem>>)
      %mul3A_87 = arith.constant 2 : i32
      %mul3A_88 = arith.muli %scan3A_42, %mul3A_87 : i32
      %add3A_89 = arith.constant 1 : i32
      %add3A_90 = arith.addi %mul3A_88, %add3A_89 : i32
      %add3A_91 = arith.constant 1 : i32
      %add3A_92 = arith.addi %add3A_90, %add3A_91 : i32
      %lt3A_93 = arith.constant 32 : i32
      %lt3A_94 = arith.cmpi slt, %add3A_92, %lt3A_93 : i32
      %convert_element_type3A_95 = arith.extui %lt3A_94 : i1 to i32
      %cond3A_96 = arith.constant 0 : i32
      %cond3A_97 = arith.cmpi ne, %convert_element_type3A_95, %cond3A_96 : i32
      scf.if %cond3A_97 {
        %ge3A = arith.constant 1 : i32
        %ge3A_134 = arith.cmpi sge, %add3A_90, %ge3A : i32
        %convert_element_type3A_135 = arith.extui %ge3A_134 : i1 to i32
        %cond3A_136 = arith.constant 0 : i32
        %cond3A_137 = arith.cmpi ne, %convert_element_type3A_135, %cond3A_136 : i32
        scf.if %cond3A_137 {
          %dma_wait3A_151 = arith.constant 0 : i32
          %dma_wait3A_152 = arith.constant 0 : i32
          %dma_wait3A_153 = arith.constant 0 : i32
          %dma_wait3A_154 = tpu.memref_slice %arg10[%dma_wait3A_151, %dma_wait3A_152, %dma_wait3A_153] : memref<2x256x128xf32, #tpu.memory_space<vmem>> -> memref<1x256x128xf32, #tpu.memory_space<vmem>>
          %dma_wait3A_155 = tpu.memref_squeeze %dma_wait3A_154 : memref<1x256x128xf32, #tpu.memory_space<vmem>> -> memref<256x128xf32, #tpu.memory_space<vmem>>
          %dma_wait3A_156 = arith.constant 0 : i32
          %dma_wait3A_157 = tpu.memref_slice %arg7[%mul3A_2, %dma_wait3A_156] : memref<262144x128xf32, #tpu.memory_space<hbm>> -> memref<256x128xf32, #tpu.memory_space<hbm>>
          %dma_wait3A_158 = arith.constant 0 : i32
          %dma_wait3A_159 = tpu.memref_slice %arg7[%mul3A_2, %dma_wait3A_158] : memref<262144x128xf32, #tpu.memory_space<hbm>> -> memref<256x128xf32, #tpu.memory_space<hbm>>
          %dma_wait3A_160 = arith.constant 0 : i32
          %dma_wait3A_161 = arith.constant 0 : i32
          %dma_wait3A_162 = tpu.memref_slice %arg10[%dma_wait3A_151, %dma_wait3A_160, %dma_wait3A_161] : memref<2x256x128xf32, #tpu.memory_space<vmem>> -> memref<1x256x128xf32, #tpu.memory_space<vmem>>
          %dma_wait3A_163 = tpu.memref_squeeze %dma_wait3A_162 : memref<1x256x128xf32, #tpu.memory_space<vmem>> -> memref<256x128xf32, #tpu.memory_space<vmem>>
          tpu.wait_dma2 semaphore(%arg17 : memref<!tpu.dma_semaphore, #tpu.memory_space<semaphore_mem>>) src(%dma_wait3A_163 : memref<256x128xf32, #tpu.memory_space<vmem>>) dst(%dma_wait3A_159 : memref<256x128xf32, #tpu.memory_space<hbm>>)
        } else {
        }
        %add3A_138 = arith.constant 1 : i32
        %add3A_139 = arith.addi %add3A_90, %add3A_138 : i32
        %mul3A_140 = arith.constant 256 : i32
        %mul3A_141 = arith.muli %add3A_139, %mul3A_140 : i32
        %dma_start3A_142 = arith.constant 0 : i32
        %dma_start3A_143 = arith.constant 0 : i32
        %dma_start3A_144 = arith.constant 0 : i32
        %dma_start3A_145 = tpu.memref_slice %arg10[%dma_start3A_142, %dma_start3A_143, %dma_start3A_144] : memref<2x256x128xf32, #tpu.memory_space<vmem>> -> memref<1x256x128xf32, #tpu.memory_space<vmem>>
        %dma_start3A_146 = tpu.memref_squeeze %dma_start3A_145 : memref<1x256x128xf32, #tpu.memory_space<vmem>> -> memref<256x128xf32, #tpu.memory_space<vmem>>
        %dma_start3A_147 = tpu.memref_slice %arg9[%mul3A_141] : memref<8192xi32, #tpu.memory_space<vmem>> -> memref<256xi32, #tpu.memory_space<vmem>>
        %dma_start3A_148 = arith.constant 0 : i32
        %dma_start3A_149 = arith.constant 0 : i32
        %dma_start3A_150 = tpu.memref_slice %arg2[%dma_start3A_148, %dma_start3A_149] : memref<4096x128xf32, #tpu.memory_space<hbm>> -> memref<4096x128xf32, #tpu.memory_space<hbm>>
        tpu.enqueue_indirect_dma source(%dma_start3A_150 : memref<4096x128xf32, #tpu.memory_space<hbm>>) target(%dma_start3A_146 : memref<256x128xf32, #tpu.memory_space<vmem>>) offsets(%dma_start3A_147 : memref<256xi32, #tpu.memory_space<vmem>>) semaphore(%arg15 : memref<!tpu.dma_semaphore, #tpu.memory_space<semaphore_mem>>)
      } else {
      }
      %scan3A_98 = arith.constant 0 : i32
      %scan3A_99 = arith.constant 0 : i32
      %scan3A_100 = arith.constant 16 : i32
      %scan3A_101 = arith.addi %scan3A_99, %scan3A_100 : i32
      %scan3A_102 = arith.constant 1 : i32
      scf.for %scan3A_134 = %scan3A_99 to %scan3A_101 step %scan3A_102  : i32 {
        %mul3A_135 = arith.constant 256 : i32
        %mul3A_136 = arith.muli %add3A_90, %mul3A_135 : i32
        %mul3A_137 = arith.constant 16 : i32
        %mul3A_138 = arith.muli %scan3A_134, %mul3A_137 : i32
        %add3A_139 = arith.addi %mul3A_136, %mul3A_138 : i32
        %get3A = arith.index_cast %add3A_139 : i32 to index
        %get3A_140 = tpu.vector_load %arg9[%get3A] {strides = array<i32>} : memref<8192xi32, #tpu.memory_space<vmem>>, vector<16xi32>,
        %broadcast_in_dim3A = arith.constant 0 : i32
        %broadcast_in_dim3A_141 = vector.broadcast %broadcast_in_dim3A : i32 to vector<16xi32>
        %mul3A_142 = arith.constant 256 : i32
        %mul3A_143 = arith.muli %add3A_90, %mul3A_142 : i32
        %add3A_144 = arith.addi %mul3A_2, %mul3A_143 : i32
        %mul3A_145 = arith.constant 16 : i32
        %mul3A_146 = arith.muli %scan3A_134, %mul3A_145 : i32
        %add3A_147 = arith.addi %add3A_144, %mul3A_146 : i32
        %jit3A = arith.constant 64 : i32
        %div3A = arith.divsi %add3A_147, %jit3A : i32
        %sign3A = arith.constant 0 : i32
        %sign3A_148 = arith.cmpi sgt, %add3A_147, %sign3A : i32
        %sign3A_149 = arith.extui %sign3A_148 : i1 to i32
        %sign3A_150 = arith.constant 0 : i32
        %sign3A_151 = arith.cmpi slt, %add3A_147, %sign3A_150 : i32
        %sign3A_152 = arith.extui %sign3A_151 : i1 to i32
        %sign3A_153 = arith.subi %sign3A_149, %sign3A_152 : i32
        %sign3A_154 = arith.constant 0 : i32
        %sign3A_155 = arith.cmpi sgt, %jit3A, %sign3A_154 : i32
        %sign3A_156 = arith.extui %sign3A_155 : i1 to i32
        %sign3A_157 = arith.constant 0 : i32
        %sign3A_158 = arith.cmpi slt, %jit3A, %sign3A_157 : i32
        %sign3A_159 = arith.extui %sign3A_158 : i1 to i32
        %sign3A_160 = arith.subi %sign3A_156, %sign3A_159 : i32
        %ne3A = arith.cmpi ne, %sign3A_153, %sign3A_160 : i32
        %rem3A = arith.remsi %add3A_147, %jit3A : i32
        %ne3A_161 = arith.constant 0 : i32
        %ne3A_162 = arith.cmpi ne, %rem3A, %ne3A_161 : i32
        %and3A = arith.andi %ne3A, %ne3A_162 : i1
        %sub3A = arith.constant 1 : i32
        %sub3A_163 = arith.subi %div3A, %sub3A : i32
        %select_n3A = arith.select %and3A, %sub3A_163, %div3A : i32
        %add3A_164 = vector.broadcast %select_n3A : i32 to vector<16xi32>
        %add3A_165 = arith.addi %broadcast_in_dim3A_141, %add3A_164 : vector<16xi32>
        %gather3A = tpu.vector_load_idx %arg11[%get3A_140] : memref<4096xf32, #tpu.memory_space<vmem>>[vector<16xi32>], vector<16xf32>,
        %gather3A_166 = tpu.vector_load_idx %arg12[%get3A_140] : memref<4096xf32, #tpu.memory_space<vmem>>[vector<16xi32>], vector<16xf32>,
        %gather3A_167 = tpu.vector_load_idx %arg13[%get3A_140] : memref<4096xf32, #tpu.memory_space<vmem>>[vector<16xi32>], vector<16xf32>,
        %gather3A_168 = tpu.vector_load_idx %arg11[%add3A_165] : memref<4096xf32, #tpu.memory_space<vmem>>[vector<16xi32>], vector<16xf32>,
        %gather3A_169 = tpu.vector_load_idx %arg12[%add3A_165] : memref<4096xf32, #tpu.memory_space<vmem>>[vector<16xi32>], vector<16xf32>,
        %gather3A_170 = tpu.vector_load_idx %arg13[%add3A_165] : memref<4096xf32, #tpu.memory_space<vmem>>[vector<16xi32>], vector<16xf32>,
        %sub3A_171 = arith.subf %gather3A, %gather3A_168 : vector<16xf32>
        %sub3A_172 = arith.subf %gather3A_166, %gather3A_169 : vector<16xf32>
        %sub3A_173 = arith.subf %gather3A_167, %gather3A_170 : vector<16xf32>
        %mul3A_174 = arith.mulf %sub3A_171, %sub3A_171 : vector<16xf32>
        %mul3A_175 = arith.mulf %sub3A_172, %sub3A_172 : vector<16xf32>
        %add3A_176 = arith.addf %mul3A_174, %mul3A_175 : vector<16xf32>
        %mul3A_177 = arith.mulf %sub3A_173, %sub3A_173 : vector<16xf32>
        %add3A_178 = arith.addf %add3A_176, %mul3A_177 : vector<16xf32>
        %mul3A_179 = arith.constant 16 : i32
        %mul3A_180 = arith.muli %scan3A_134, %mul3A_179 : i32
        %swap3A = arith.index_cast %mul3A_180 : i32 to index
        %swap3A_181 = tpu.vector_load %arg14[%swap3A] {strides = array<i32>} : memref<256xf32, #tpu.memory_space<vmem>>, vector<16xf32>,
        tpu.vector_store %arg14[%swap3A], %add3A_178 {strides = array<i32>} : memref<256xf32, #tpu.memory_space<vmem>>, vector<16xf32>,
      }
      %scan3A_103 = arith.constant 16 : i32
      %mul3A_104 = arith.constant 256 : i32
      %mul3A_105 = arith.muli %add3A_90, %mul3A_104 : i32
      %add3A_106 = arith.addi %mul3A_2, %mul3A_105 : i32
      "tpu.region"() ({
        %run_scoped3A = tpu.sem_alloc : memref<!tpu.dma_semaphore, #tpu.memory_space<semaphore_mem>>
        %dma_start3A_134 = tpu.memref_slice %arg8[%add3A_106] : memref<262144xf32, #tpu.memory_space<hbm>> -> memref<256xf32, #tpu.memory_space<hbm>>
        %dma_start3A_135 = tpu.memref_slice %arg8[%add3A_106] : memref<262144xf32, #tpu.memory_space<hbm>> -> memref<256xf32, #tpu.memory_space<hbm>>
        tpu.enqueue_dma source(%arg14 : memref<256xf32, #tpu.memory_space<vmem>>) target(%dma_start3A_135 : memref<256xf32, #tpu.memory_space<hbm>>) target_semaphore(%run_scoped3A : memref<!tpu.dma_semaphore, #tpu.memory_space<semaphore_mem>>)
        %dma_wait3A_136 = tpu.memref_slice %arg8[%add3A_106] : memref<262144xf32, #tpu.memory_space<hbm>> -> memref<256xf32, #tpu.memory_space<hbm>>
        %dma_wait3A_137 = tpu.memref_slice %arg8[%add3A_106] : memref<262144xf32, #tpu.memory_space<hbm>> -> memref<256xf32, #tpu.memory_space<hbm>>
        tpu.wait_dma2 semaphore(%run_scoped3A : memref<!tpu.dma_semaphore, #tpu.memory_space<semaphore_mem>>) src(%arg14 : memref<256xf32, #tpu.memory_space<vmem>>) dst(%dma_wait3A_137 : memref<256xf32, #tpu.memory_space<hbm>>)
        tpu.yield
      }) : () -> ()
      %mul3A_107 = arith.constant 256 : i32
      %mul3A_108 = arith.muli %add3A_90, %mul3A_107 : i32
      %dma_wait3A_109 = arith.constant 1 : i32
      %dma_wait3A_110 = arith.constant 0 : i32
      %dma_wait3A_111 = arith.constant 0 : i32
      %dma_wait3A_112 = tpu.memref_slice %arg10[%dma_wait3A_109, %dma_wait3A_110, %dma_wait3A_111] : memref<2x256x128xf32, #tpu.memory_space<vmem>> -> memref<1x256x128xf32, #tpu.memory_space<vmem>>
      %dma_wait3A_113 = tpu.memref_squeeze %dma_wait3A_112 : memref<1x256x128xf32, #tpu.memory_space<vmem>> -> memref<256x128xf32, #tpu.memory_space<vmem>>
      %dma_wait3A_114 = tpu.memref_slice %arg9[%mul3A_108] : memref<8192xi32, #tpu.memory_space<vmem>> -> memref<256xi32, #tpu.memory_space<vmem>>
      %dma_wait3A_115 = arith.constant 0 : i32
      %dma_wait3A_116 = arith.constant 0 : i32
      %dma_wait3A_117 = tpu.memref_slice %arg2[%dma_wait3A_115, %dma_wait3A_116] : memref<4096x128xf32, #tpu.memory_space<hbm>> -> memref<4096x128xf32, #tpu.memory_space<hbm>>
      tpu.wait_indirect_dma semaphore(%arg16 : memref<!tpu.dma_semaphore, #tpu.memory_space<semaphore_mem>>) src(%dma_wait3A_117 : memref<4096x128xf32, #tpu.memory_space<hbm>>) dst(%dma_wait3A_113 : memref<256x128xf32, #tpu.memory_space<vmem>>)
      %mul3A_118 = arith.constant 256 : i32
      %mul3A_119 = arith.muli %add3A_90, %mul3A_118 : i32
      %add3A_120 = arith.addi %mul3A_2, %mul3A_119 : i32
      %dma_start3A_121 = arith.constant 1 : i32
      %dma_start3A_122 = arith.constant 0 : i32
      %dma_start3A_123 = arith.constant 0 : i32
      %dma_start3A_124 = tpu.memref_slice %arg10[%dma_start3A_121, %dma_start3A_122, %dma_start3A_123] : memref<2x256x128xf32, #tpu.memory_space<vmem>> -> memref<1x256x128xf32, #tpu.memory_space<vmem>>
      %dma_start3A_125 = tpu.memref_squeeze %dma_start3A_124 : memref<1x256x128xf32, #tpu.memory_space<vmem>> -> memref<256x128xf32, #tpu.memory_space<vmem>>
      %dma_start3A_126 = arith.constant 0 : i32
      %dma_start3A_127 = tpu.memref_slice %arg7[%add3A_120, %dma_start3A_126] : memref<262144x128xf32, #tpu.memory_space<hbm>> -> memref<256x128xf32, #tpu.memory_space<hbm>>
      %dma_start3A_128 = arith.constant 0 : i32
      %dma_start3A_129 = tpu.memref_slice %arg7[%add3A_120, %dma_start3A_128] : memref<262144x128xf32, #tpu.memory_space<hbm>> -> memref<256x128xf32, #tpu.memory_space<hbm>>
      %dma_start3A_130 = arith.constant 0 : i32
      %dma_start3A_131 = arith.constant 0 : i32
      %dma_start3A_132 = tpu.memref_slice %arg10[%dma_start3A_121, %dma_start3A_130, %dma_start3A_131] : memref<2x256x128xf32, #tpu.memory_space<vmem>> -> memref<1x256x128xf32, #tpu.memory_space<vmem>>
      %dma_start3A_133 = tpu.memref_squeeze %dma_start3A_132 : memref<1x256x128xf32, #tpu.memory_space<vmem>> -> memref<256x128xf32, #tpu.memory_space<vmem>>
      tpu.enqueue_dma source(%dma_start3A_133 : memref<256x128xf32, #tpu.memory_space<vmem>>) target(%dma_start3A_129 : memref<256x128xf32, #tpu.memory_space<hbm>>) target_semaphore(%arg18 : memref<!tpu.dma_semaphore, #tpu.memory_space<semaphore_mem>>)
    }
    %scan3A_16 = arith.constant 16 : i32
    %dma_wait3A = arith.constant 0 : i32
    %dma_wait3A_17 = arith.constant 0 : i32
    %dma_wait3A_18 = arith.constant 0 : i32
    %dma_wait3A_19 = tpu.memref_slice %arg10[%dma_wait3A, %dma_wait3A_17, %dma_wait3A_18] : memref<2x256x128xf32, #tpu.memory_space<vmem>> -> memref<1x256x128xf32, #tpu.memory_space<vmem>>
    %dma_wait3A_20 = tpu.memref_squeeze %dma_wait3A_19 : memref<1x256x128xf32, #tpu.memory_space<vmem>> -> memref<256x128xf32, #tpu.memory_space<vmem>>
    %dma_wait3A_21 = arith.constant 0 : i32
    %dma_wait3A_22 = tpu.memref_slice %arg7[%mul3A_2, %dma_wait3A_21] : memref<262144x128xf32, #tpu.memory_space<hbm>> -> memref<256x128xf32, #tpu.memory_space<hbm>>
    %dma_wait3A_23 = arith.constant 0 : i32
    %dma_wait3A_24 = tpu.memref_slice %arg7[%mul3A_2, %dma_wait3A_23] : memref<262144x128xf32, #tpu.memory_space<hbm>> -> memref<256x128xf32, #tpu.memory_space<hbm>>
    %dma_wait3A_25 = arith.constant 0 : i32
    %dma_wait3A_26 = arith.constant 0 : i32
    %dma_wait3A_27 = tpu.memref_slice %arg10[%dma_wait3A, %dma_wait3A_25, %dma_wait3A_26] : memref<2x256x128xf32, #tpu.memory_space<vmem>> -> memref<1x256x128xf32, #tpu.memory_space<vmem>>
    %dma_wait3A_28 = tpu.memref_squeeze %dma_wait3A_27 : memref<1x256x128xf32, #tpu.memory_space<vmem>> -> memref<256x128xf32, #tpu.memory_space<vmem>>
    tpu.wait_dma2 semaphore(%arg17 : memref<!tpu.dma_semaphore, #tpu.memory_space<semaphore_mem>>) src(%dma_wait3A_28 : memref<256x128xf32, #tpu.memory_space<vmem>>) dst(%dma_wait3A_24 : memref<256x128xf32, #tpu.memory_space<hbm>>)
    %dma_wait3A_29 = arith.constant 1 : i32
    %dma_wait3A_30 = arith.constant 0 : i32
    %dma_wait3A_31 = arith.constant 0 : i32
    %dma_wait3A_32 = tpu.memref_slice %arg10[%dma_wait3A_29, %dma_wait3A_30, %dma_wait3A_31] : memref<2x256x128xf32, #tpu.memory_space<vmem>> -> memref<1x256x128xf32, #tpu.memory_space<vmem>>
    %dma_wait3A_33 = tpu.memref_squeeze %dma_wait3A_32 : memref<1x256x128xf32, #tpu.memory_space<vmem>> -> memref<256x128xf32, #tpu.memory_space<vmem>>
    %dma_wait3A_34 = arith.constant 0 : i32
    %dma_wait3A_35 = tpu.memref_slice %arg7[%mul3A_2, %dma_wait3A_34] : memref<262144x128xf32, #tpu.memory_space<hbm>> -> memref<256x128xf32, #tpu.memory_space<hbm>>
    %dma_wait3A_36 = arith.constant 0 : i32
    %dma_wait3A_37 = tpu.memref_slice %arg7[%mul3A_2, %dma_wait3A_36] : memref<262144x128xf32, #tpu.memory_space<hbm>> -> memref<256x128xf32, #tpu.memory_space<hbm>>
    %dma_wait3A_38 = arith.constant 0 : i32
    %dma_wait3A_39 = arith.constant 0 : i32
    %dma_wait3A_40 = tpu.memref_slice %arg10[%dma_wait3A_29, %dma_wait3A_38, %dma_wait3A_39] : memref<2x256x128xf32, #tpu.memory_space<vmem>> -> memref<1x256x128xf32, #tpu.memory_space<vmem>>
    %dma_wait3A_41 = tpu.memref_squeeze %dma_wait3A_40 : memref<1x256x128xf32, #tpu.memory_space<vmem>> -> memref<256x128xf32, #tpu.memory_space<vmem>>
    tpu.wait_dma2 semaphore(%arg18 : memref<!tpu.dma_semaphore, #tpu.memory_space<semaphore_mem>>) src(%dma_wait3A_41 : memref<256x128xf32, #tpu.memory_space<vmem>>) dst(%dma_wait3A_37 : memref<256x128xf32, #tpu.memory_space<hbm>>)
    return
  }
}

#map = affine_map<(d0, d1) -> (0, 0)>
#map1 = affine_map<(d0, d1) -> (0)>
module attributes {stable_mosaic.version = 14 : i64} {
  func.func @_gather_body(%arg0: i32, %arg1: i32, %arg2: memref<4096x128xf32, #tpu.memory_space<hbm>>, %arg3: memref<262144xi32, #tpu.memory_space<hbm>>, %arg4: memref<262144x128xf32, #tpu.memory_space<hbm>>, %arg5: memref<8192xi32, #tpu.memory_space<vmem>>, %arg6: memref<2x256x128xf32, #tpu.memory_space<vmem>>, %arg7: memref<!tpu.dma_semaphore, #tpu.memory_space<semaphore_mem>>, %arg8: memref<!tpu.dma_semaphore, #tpu.memory_space<semaphore_mem>>, %arg9: memref<!tpu.dma_semaphore, #tpu.memory_space<semaphore_mem>>, %arg10: memref<!tpu.dma_semaphore, #tpu.memory_space<semaphore_mem>>) attributes {dimension_semantics = [#tpu.dimension_semantics<core_parallel>, #tpu.dimension_semantics<subcore_parallel>], iteration_bounds = array<i64: 2, 16>, scalar_prefetch = 0 : i64, scratch_operands = 6 : i64, tpu.core_type = #tpu.core_type<sc_vector_subcore>, window_params = [{transform_indices = #map}, {transform_indices = #map1}, {transform_indices = #map}]} {
    %mul3A = arith.constant 2 : i32
    %mul3A_0 = arith.muli %arg1, %mul3A : i32
    %add3A = arith.addi %mul3A_0, %arg0 : i32
    %mul3A_1 = arith.constant 8192 : i32
    %mul3A_2 = arith.muli %add3A, %mul3A_1 : i32
    "tpu.region"() ({
      %run_scoped3A = tpu.sem_alloc : memref<!tpu.dma_semaphore, #tpu.memory_space<semaphore_mem>>
      %dma_start3A_42 = tpu.memref_slice %arg3[%mul3A_2] : memref<262144xi32, #tpu.memory_space<hbm>> -> memref<8192xi32, #tpu.memory_space<hbm>>
      %dma_start3A_43 = tpu.memref_slice %arg3[%mul3A_2] : memref<262144xi32, #tpu.memory_space<hbm>> -> memref<8192xi32, #tpu.memory_space<hbm>>
      tpu.enqueue_dma source(%dma_start3A_43 : memref<8192xi32, #tpu.memory_space<hbm>>) target(%arg5 : memref<8192xi32, #tpu.memory_space<vmem>>) target_semaphore(%run_scoped3A : memref<!tpu.dma_semaphore, #tpu.memory_space<semaphore_mem>>)
      %dma_wait3A_44 = tpu.memref_slice %arg3[%mul3A_2] : memref<262144xi32, #tpu.memory_space<hbm>> -> memref<8192xi32, #tpu.memory_space<hbm>>
      %dma_wait3A_45 = tpu.memref_slice %arg3[%mul3A_2] : memref<262144xi32, #tpu.memory_space<hbm>> -> memref<8192xi32, #tpu.memory_space<hbm>>
      tpu.wait_dma2 semaphore(%run_scoped3A : memref<!tpu.dma_semaphore, #tpu.memory_space<semaphore_mem>>) src(%dma_wait3A_45 : memref<8192xi32, #tpu.memory_space<hbm>>) dst(%arg5 : memref<8192xi32, #tpu.memory_space<vmem>>)
      tpu.yield
    }) : () -> ()
    %dma_start3A = arith.constant 0 : i32
    %dma_start3A_3 = arith.constant 0 : i32
    %dma_start3A_4 = arith.constant 0 : i32
    %dma_start3A_5 = tpu.memref_slice %arg6[%dma_start3A, %dma_start3A_3, %dma_start3A_4] : memref<2x256x128xf32, #tpu.memory_space<vmem>> -> memref<1x256x128xf32, #tpu.memory_space<vmem>>
    %dma_start3A_6 = tpu.memref_squeeze %dma_start3A_5 : memref<1x256x128xf32, #tpu.memory_space<vmem>> -> memref<256x128xf32, #tpu.memory_space<vmem>>
    %dma_start3A_7 = arith.constant 0 : i32
    %dma_start3A_8 = tpu.memref_slice %arg5[%dma_start3A_7] : memref<8192xi32, #tpu.memory_space<vmem>> -> memref<256xi32, #tpu.memory_space<vmem>>
    %dma_start3A_9 = arith.constant 0 : i32
    %dma_start3A_10 = arith.constant 0 : i32
    %dma_start3A_11 = tpu.memref_slice %arg2[%dma_start3A_9, %dma_start3A_10] : memref<4096x128xf32, #tpu.memory_space<hbm>> -> memref<4096x128xf32, #tpu.memory_space<hbm>>
    tpu.enqueue_indirect_dma source(%dma_start3A_11 : memref<4096x128xf32, #tpu.memory_space<hbm>>) target(%dma_start3A_6 : memref<256x128xf32, #tpu.memory_space<vmem>>) offsets(%dma_start3A_8 : memref<256xi32, #tpu.memory_space<vmem>>) semaphore(%arg7 : memref<!tpu.dma_semaphore, #tpu.memory_space<semaphore_mem>>)
    %scan3A = arith.constant 0 : i32
    %scan3A_12 = arith.constant 0 : i32
    %scan3A_13 = arith.constant 16 : i32
    %scan3A_14 = arith.addi %scan3A_12, %scan3A_13 : i32
    %scan3A_15 = arith.constant 1 : i32
    scf.for %scan3A_42 = %scan3A_12 to %scan3A_14 step %scan3A_15  : i32 {
      %mul3A_43 = arith.constant 2 : i32
      %mul3A_44 = arith.muli %scan3A_42, %mul3A_43 : i32
      %add3A_45 = arith.constant 0 : i32
      %add3A_46 = arith.addi %mul3A_44, %add3A_45 : i32
      %add3A_47 = arith.constant 1 : i32
      %add3A_48 = arith.addi %add3A_46, %add3A_47 : i32
      %lt3A = arith.constant 32 : i32
      %lt3A_49 = arith.cmpi slt, %add3A_48, %lt3A : i32
      %convert_element_type3A = arith.extui %lt3A_49 : i1 to i32
      %cond3A = arith.constant 0 : i32
      %cond3A_50 = arith.cmpi ne, %convert_element_type3A, %cond3A : i32
      scf.if %cond3A_50 {
        %ge3A = arith.constant 1 : i32
        %ge3A_116 = arith.cmpi sge, %add3A_46, %ge3A : i32
        %convert_element_type3A_117 = arith.extui %ge3A_116 : i1 to i32
        %cond3A_118 = arith.constant 0 : i32
        %cond3A_119 = arith.cmpi ne, %convert_element_type3A_117, %cond3A_118 : i32
        scf.if %cond3A_119 {
          %dma_wait3A_133 = arith.constant 1 : i32
          %dma_wait3A_134 = arith.constant 0 : i32
          %dma_wait3A_135 = arith.constant 0 : i32
          %dma_wait3A_136 = tpu.memref_slice %arg6[%dma_wait3A_133, %dma_wait3A_134, %dma_wait3A_135] : memref<2x256x128xf32, #tpu.memory_space<vmem>> -> memref<1x256x128xf32, #tpu.memory_space<vmem>>
          %dma_wait3A_137 = tpu.memref_squeeze %dma_wait3A_136 : memref<1x256x128xf32, #tpu.memory_space<vmem>> -> memref<256x128xf32, #tpu.memory_space<vmem>>
          %dma_wait3A_138 = arith.constant 0 : i32
          %dma_wait3A_139 = tpu.memref_slice %arg4[%mul3A_2, %dma_wait3A_138] : memref<262144x128xf32, #tpu.memory_space<hbm>> -> memref<256x128xf32, #tpu.memory_space<hbm>>
          %dma_wait3A_140 = arith.constant 0 : i32
          %dma_wait3A_141 = tpu.memref_slice %arg4[%mul3A_2, %dma_wait3A_140] : memref<262144x128xf32, #tpu.memory_space<hbm>> -> memref<256x128xf32, #tpu.memory_space<hbm>>
          %dma_wait3A_142 = arith.constant 0 : i32
          %dma_wait3A_143 = arith.constant 0 : i32
          %dma_wait3A_144 = tpu.memref_slice %arg6[%dma_wait3A_133, %dma_wait3A_142, %dma_wait3A_143] : memref<2x256x128xf32, #tpu.memory_space<vmem>> -> memref<1x256x128xf32, #tpu.memory_space<vmem>>
          %dma_wait3A_145 = tpu.memref_squeeze %dma_wait3A_144 : memref<1x256x128xf32, #tpu.memory_space<vmem>> -> memref<256x128xf32, #tpu.memory_space<vmem>>
          tpu.wait_dma2 semaphore(%arg10 : memref<!tpu.dma_semaphore, #tpu.memory_space<semaphore_mem>>) src(%dma_wait3A_145 : memref<256x128xf32, #tpu.memory_space<vmem>>) dst(%dma_wait3A_141 : memref<256x128xf32, #tpu.memory_space<hbm>>)
        } else {
        }
        %add3A_120 = arith.constant 1 : i32
        %add3A_121 = arith.addi %add3A_46, %add3A_120 : i32
        %mul3A_122 = arith.constant 256 : i32
        %mul3A_123 = arith.muli %add3A_121, %mul3A_122 : i32
        %dma_start3A_124 = arith.constant 1 : i32
        %dma_start3A_125 = arith.constant 0 : i32
        %dma_start3A_126 = arith.constant 0 : i32
        %dma_start3A_127 = tpu.memref_slice %arg6[%dma_start3A_124, %dma_start3A_125, %dma_start3A_126] : memref<2x256x128xf32, #tpu.memory_space<vmem>> -> memref<1x256x128xf32, #tpu.memory_space<vmem>>
        %dma_start3A_128 = tpu.memref_squeeze %dma_start3A_127 : memref<1x256x128xf32, #tpu.memory_space<vmem>> -> memref<256x128xf32, #tpu.memory_space<vmem>>
        %dma_start3A_129 = tpu.memref_slice %arg5[%mul3A_123] : memref<8192xi32, #tpu.memory_space<vmem>> -> memref<256xi32, #tpu.memory_space<vmem>>
        %dma_start3A_130 = arith.constant 0 : i32
        %dma_start3A_131 = arith.constant 0 : i32
        %dma_start3A_132 = tpu.memref_slice %arg2[%dma_start3A_130, %dma_start3A_131] : memref<4096x128xf32, #tpu.memory_space<hbm>> -> memref<4096x128xf32, #tpu.memory_space<hbm>>
        tpu.enqueue_indirect_dma source(%dma_start3A_132 : memref<4096x128xf32, #tpu.memory_space<hbm>>) target(%dma_start3A_128 : memref<256x128xf32, #tpu.memory_space<vmem>>) offsets(%dma_start3A_129 : memref<256xi32, #tpu.memory_space<vmem>>) semaphore(%arg8 : memref<!tpu.dma_semaphore, #tpu.memory_space<semaphore_mem>>)
      } else {
      }
      %mul3A_51 = arith.constant 256 : i32
      %mul3A_52 = arith.muli %add3A_46, %mul3A_51 : i32
      %dma_wait3A_53 = arith.constant 0 : i32
      %dma_wait3A_54 = arith.constant 0 : i32
      %dma_wait3A_55 = arith.constant 0 : i32
      %dma_wait3A_56 = tpu.memref_slice %arg6[%dma_wait3A_53, %dma_wait3A_54, %dma_wait3A_55] : memref<2x256x128xf32, #tpu.memory_space<vmem>> -> memref<1x256x128xf32, #tpu.memory_space<vmem>>
      %dma_wait3A_57 = tpu.memref_squeeze %dma_wait3A_56 : memref<1x256x128xf32, #tpu.memory_space<vmem>> -> memref<256x128xf32, #tpu.memory_space<vmem>>
      %dma_wait3A_58 = tpu.memref_slice %arg5[%mul3A_52] : memref<8192xi32, #tpu.memory_space<vmem>> -> memref<256xi32, #tpu.memory_space<vmem>>
      %dma_wait3A_59 = arith.constant 0 : i32
      %dma_wait3A_60 = arith.constant 0 : i32
      %dma_wait3A_61 = tpu.memref_slice %arg2[%dma_wait3A_59, %dma_wait3A_60] : memref<4096x128xf32, #tpu.memory_space<hbm>> -> memref<4096x128xf32, #tpu.memory_space<hbm>>
      tpu.wait_indirect_dma semaphore(%arg7 : memref<!tpu.dma_semaphore, #tpu.memory_space<semaphore_mem>>) src(%dma_wait3A_61 : memref<4096x128xf32, #tpu.memory_space<hbm>>) dst(%dma_wait3A_57 : memref<256x128xf32, #tpu.memory_space<vmem>>)
      %mul3A_62 = arith.constant 256 : i32
      %mul3A_63 = arith.muli %add3A_46, %mul3A_62 : i32
      %add3A_64 = arith.addi %mul3A_2, %mul3A_63 : i32
      %dma_start3A_65 = arith.constant 0 : i32
      %dma_start3A_66 = arith.constant 0 : i32
      %dma_start3A_67 = arith.constant 0 : i32
      %dma_start3A_68 = tpu.memref_slice %arg6[%dma_start3A_65, %dma_start3A_66, %dma_start3A_67] : memref<2x256x128xf32, #tpu.memory_space<vmem>> -> memref<1x256x128xf32, #tpu.memory_space<vmem>>
      %dma_start3A_69 = tpu.memref_squeeze %dma_start3A_68 : memref<1x256x128xf32, #tpu.memory_space<vmem>> -> memref<256x128xf32, #tpu.memory_space<vmem>>
      %dma_start3A_70 = arith.constant 0 : i32
      %dma_start3A_71 = tpu.memref_slice %arg4[%add3A_64, %dma_start3A_70] : memref<262144x128xf32, #tpu.memory_space<hbm>> -> memref<256x128xf32, #tpu.memory_space<hbm>>
      %dma_start3A_72 = arith.constant 0 : i32
      %dma_start3A_73 = tpu.memref_slice %arg4[%add3A_64, %dma_start3A_72] : memref<262144x128xf32, #tpu.memory_space<hbm>> -> memref<256x128xf32, #tpu.memory_space<hbm>>
      %dma_start3A_74 = arith.constant 0 : i32
      %dma_start3A_75 = arith.constant 0 : i32
      %dma_start3A_76 = tpu.memref_slice %arg6[%dma_start3A_65, %dma_start3A_74, %dma_start3A_75] : memref<2x256x128xf32, #tpu.memory_space<vmem>> -> memref<1x256x128xf32, #tpu.memory_space<vmem>>
      %dma_start3A_77 = tpu.memref_squeeze %dma_start3A_76 : memref<1x256x128xf32, #tpu.memory_space<vmem>> -> memref<256x128xf32, #tpu.memory_space<vmem>>
      tpu.enqueue_dma source(%dma_start3A_77 : memref<256x128xf32, #tpu.memory_space<vmem>>) target(%dma_start3A_73 : memref<256x128xf32, #tpu.memory_space<hbm>>) target_semaphore(%arg9 : memref<!tpu.dma_semaphore, #tpu.memory_space<semaphore_mem>>)
      %mul3A_78 = arith.constant 2 : i32
      %mul3A_79 = arith.muli %scan3A_42, %mul3A_78 : i32
      %add3A_80 = arith.constant 1 : i32
      %add3A_81 = arith.addi %mul3A_79, %add3A_80 : i32
      %add3A_82 = arith.constant 1 : i32
      %add3A_83 = arith.addi %add3A_81, %add3A_82 : i32
      %lt3A_84 = arith.constant 32 : i32
      %lt3A_85 = arith.cmpi slt, %add3A_83, %lt3A_84 : i32
      %convert_element_type3A_86 = arith.extui %lt3A_85 : i1 to i32
      %cond3A_87 = arith.constant 0 : i32
      %cond3A_88 = arith.cmpi ne, %convert_element_type3A_86, %cond3A_87 : i32
      scf.if %cond3A_88 {
        %ge3A = arith.constant 1 : i32
        %ge3A_116 = arith.cmpi sge, %add3A_81, %ge3A : i32
        %convert_element_type3A_117 = arith.extui %ge3A_116 : i1 to i32
        %cond3A_118 = arith.constant 0 : i32
        %cond3A_119 = arith.cmpi ne, %convert_element_type3A_117, %cond3A_118 : i32
        scf.if %cond3A_119 {
          %dma_wait3A_133 = arith.constant 0 : i32
          %dma_wait3A_134 = arith.constant 0 : i32
          %dma_wait3A_135 = arith.constant 0 : i32
          %dma_wait3A_136 = tpu.memref_slice %arg6[%dma_wait3A_133, %dma_wait3A_134, %dma_wait3A_135] : memref<2x256x128xf32, #tpu.memory_space<vmem>> -> memref<1x256x128xf32, #tpu.memory_space<vmem>>
          %dma_wait3A_137 = tpu.memref_squeeze %dma_wait3A_136 : memref<1x256x128xf32, #tpu.memory_space<vmem>> -> memref<256x128xf32, #tpu.memory_space<vmem>>
          %dma_wait3A_138 = arith.constant 0 : i32
          %dma_wait3A_139 = tpu.memref_slice %arg4[%mul3A_2, %dma_wait3A_138] : memref<262144x128xf32, #tpu.memory_space<hbm>> -> memref<256x128xf32, #tpu.memory_space<hbm>>
          %dma_wait3A_140 = arith.constant 0 : i32
          %dma_wait3A_141 = tpu.memref_slice %arg4[%mul3A_2, %dma_wait3A_140] : memref<262144x128xf32, #tpu.memory_space<hbm>> -> memref<256x128xf32, #tpu.memory_space<hbm>>
          %dma_wait3A_142 = arith.constant 0 : i32
          %dma_wait3A_143 = arith.constant 0 : i32
          %dma_wait3A_144 = tpu.memref_slice %arg6[%dma_wait3A_133, %dma_wait3A_142, %dma_wait3A_143] : memref<2x256x128xf32, #tpu.memory_space<vmem>> -> memref<1x256x128xf32, #tpu.memory_space<vmem>>
          %dma_wait3A_145 = tpu.memref_squeeze %dma_wait3A_144 : memref<1x256x128xf32, #tpu.memory_space<vmem>> -> memref<256x128xf32, #tpu.memory_space<vmem>>
          tpu.wait_dma2 semaphore(%arg9 : memref<!tpu.dma_semaphore, #tpu.memory_space<semaphore_mem>>) src(%dma_wait3A_145 : memref<256x128xf32, #tpu.memory_space<vmem>>) dst(%dma_wait3A_141 : memref<256x128xf32, #tpu.memory_space<hbm>>)
        } else {
        }
        %add3A_120 = arith.constant 1 : i32
        %add3A_121 = arith.addi %add3A_81, %add3A_120 : i32
        %mul3A_122 = arith.constant 256 : i32
        %mul3A_123 = arith.muli %add3A_121, %mul3A_122 : i32
        %dma_start3A_124 = arith.constant 0 : i32
        %dma_start3A_125 = arith.constant 0 : i32
        %dma_start3A_126 = arith.constant 0 : i32
        %dma_start3A_127 = tpu.memref_slice %arg6[%dma_start3A_124, %dma_start3A_125, %dma_start3A_126] : memref<2x256x128xf32, #tpu.memory_space<vmem>> -> memref<1x256x128xf32, #tpu.memory_space<vmem>>
        %dma_start3A_128 = tpu.memref_squeeze %dma_start3A_127 : memref<1x256x128xf32, #tpu.memory_space<vmem>> -> memref<256x128xf32, #tpu.memory_space<vmem>>
        %dma_start3A_129 = tpu.memref_slice %arg5[%mul3A_123] : memref<8192xi32, #tpu.memory_space<vmem>> -> memref<256xi32, #tpu.memory_space<vmem>>
        %dma_start3A_130 = arith.constant 0 : i32
        %dma_start3A_131 = arith.constant 0 : i32
        %dma_start3A_132 = tpu.memref_slice %arg2[%dma_start3A_130, %dma_start3A_131] : memref<4096x128xf32, #tpu.memory_space<hbm>> -> memref<4096x128xf32, #tpu.memory_space<hbm>>
        tpu.enqueue_indirect_dma source(%dma_start3A_132 : memref<4096x128xf32, #tpu.memory_space<hbm>>) target(%dma_start3A_128 : memref<256x128xf32, #tpu.memory_space<vmem>>) offsets(%dma_start3A_129 : memref<256xi32, #tpu.memory_space<vmem>>) semaphore(%arg7 : memref<!tpu.dma_semaphore, #tpu.memory_space<semaphore_mem>>)
      } else {
      }
      %mul3A_89 = arith.constant 256 : i32
      %mul3A_90 = arith.muli %add3A_81, %mul3A_89 : i32
      %dma_wait3A_91 = arith.constant 1 : i32
      %dma_wait3A_92 = arith.constant 0 : i32
      %dma_wait3A_93 = arith.constant 0 : i32
      %dma_wait3A_94 = tpu.memref_slice %arg6[%dma_wait3A_91, %dma_wait3A_92, %dma_wait3A_93] : memref<2x256x128xf32, #tpu.memory_space<vmem>> -> memref<1x256x128xf32, #tpu.memory_space<vmem>>
      %dma_wait3A_95 = tpu.memref_squeeze %dma_wait3A_94 : memref<1x256x128xf32, #tpu.memory_space<vmem>> -> memref<256x128xf32, #tpu.memory_space<vmem>>
      %dma_wait3A_96 = tpu.memref_slice %arg5[%mul3A_90] : memref<8192xi32, #tpu.memory_space<vmem>> -> memref<256xi32, #tpu.memory_space<vmem>>
      %dma_wait3A_97 = arith.constant 0 : i32
      %dma_wait3A_98 = arith.constant 0 : i32
      %dma_wait3A_99 = tpu.memref_slice %arg2[%dma_wait3A_97, %dma_wait3A_98] : memref<4096x128xf32, #tpu.memory_space<hbm>> -> memref<4096x128xf32, #tpu.memory_space<hbm>>
      tpu.wait_indirect_dma semaphore(%arg8 : memref<!tpu.dma_semaphore, #tpu.memory_space<semaphore_mem>>) src(%dma_wait3A_99 : memref<4096x128xf32, #tpu.memory_space<hbm>>) dst(%dma_wait3A_95 : memref<256x128xf32, #tpu.memory_space<vmem>>)
      %mul3A_100 = arith.constant 256 : i32
      %mul3A_101 = arith.muli %add3A_81, %mul3A_100 : i32
      %add3A_102 = arith.addi %mul3A_2, %mul3A_101 : i32
      %dma_start3A_103 = arith.constant 1 : i32
      %dma_start3A_104 = arith.constant 0 : i32
      %dma_start3A_105 = arith.constant 0 : i32
      %dma_start3A_106 = tpu.memref_slice %arg6[%dma_start3A_103, %dma_start3A_104, %dma_start3A_105] : memref<2x256x128xf32, #tpu.memory_space<vmem>> -> memref<1x256x128xf32, #tpu.memory_space<vmem>>
      %dma_start3A_107 = tpu.memref_squeeze %dma_start3A_106 : memref<1x256x128xf32, #tpu.memory_space<vmem>> -> memref<256x128xf32, #tpu.memory_space<vmem>>
      %dma_start3A_108 = arith.constant 0 : i32
      %dma_start3A_109 = tpu.memref_slice %arg4[%add3A_102, %dma_start3A_108] : memref<262144x128xf32, #tpu.memory_space<hbm>> -> memref<256x128xf32, #tpu.memory_space<hbm>>
      %dma_start3A_110 = arith.constant 0 : i32
      %dma_start3A_111 = tpu.memref_slice %arg4[%add3A_102, %dma_start3A_110] : memref<262144x128xf32, #tpu.memory_space<hbm>> -> memref<256x128xf32, #tpu.memory_space<hbm>>
      %dma_start3A_112 = arith.constant 0 : i32
      %dma_start3A_113 = arith.constant 0 : i32
      %dma_start3A_114 = tpu.memref_slice %arg6[%dma_start3A_103, %dma_start3A_112, %dma_start3A_113] : memref<2x256x128xf32, #tpu.memory_space<vmem>> -> memref<1x256x128xf32, #tpu.memory_space<vmem>>
      %dma_start3A_115 = tpu.memref_squeeze %dma_start3A_114 : memref<1x256x128xf32, #tpu.memory_space<vmem>> -> memref<256x128xf32, #tpu.memory_space<vmem>>
      tpu.enqueue_dma source(%dma_start3A_115 : memref<256x128xf32, #tpu.memory_space<vmem>>) target(%dma_start3A_111 : memref<256x128xf32, #tpu.memory_space<hbm>>) target_semaphore(%arg10 : memref<!tpu.dma_semaphore, #tpu.memory_space<semaphore_mem>>)
    }
    %scan3A_16 = arith.constant 16 : i32
    %dma_wait3A = arith.constant 0 : i32
    %dma_wait3A_17 = arith.constant 0 : i32
    %dma_wait3A_18 = arith.constant 0 : i32
    %dma_wait3A_19 = tpu.memref_slice %arg6[%dma_wait3A, %dma_wait3A_17, %dma_wait3A_18] : memref<2x256x128xf32, #tpu.memory_space<vmem>> -> memref<1x256x128xf32, #tpu.memory_space<vmem>>
    %dma_wait3A_20 = tpu.memref_squeeze %dma_wait3A_19 : memref<1x256x128xf32, #tpu.memory_space<vmem>> -> memref<256x128xf32, #tpu.memory_space<vmem>>
    %dma_wait3A_21 = arith.constant 0 : i32
    %dma_wait3A_22 = tpu.memref_slice %arg4[%mul3A_2, %dma_wait3A_21] : memref<262144x128xf32, #tpu.memory_space<hbm>> -> memref<256x128xf32, #tpu.memory_space<hbm>>
    %dma_wait3A_23 = arith.constant 0 : i32
    %dma_wait3A_24 = tpu.memref_slice %arg4[%mul3A_2, %dma_wait3A_23] : memref<262144x128xf32, #tpu.memory_space<hbm>> -> memref<256x128xf32, #tpu.memory_space<hbm>>
    %dma_wait3A_25 = arith.constant 0 : i32
    %dma_wait3A_26 = arith.constant 0 : i32
    %dma_wait3A_27 = tpu.memref_slice %arg6[%dma_wait3A, %dma_wait3A_25, %dma_wait3A_26] : memref<2x256x128xf32, #tpu.memory_space<vmem>> -> memref<1x256x128xf32, #tpu.memory_space<vmem>>
    %dma_wait3A_28 = tpu.memref_squeeze %dma_wait3A_27 : memref<1x256x128xf32, #tpu.memory_space<vmem>> -> memref<256x128xf32, #tpu.memory_space<vmem>>
    tpu.wait_dma2 semaphore(%arg9 : memref<!tpu.dma_semaphore, #tpu.memory_space<semaphore_mem>>) src(%dma_wait3A_28 : memref<256x128xf32, #tpu.memory_space<vmem>>) dst(%dma_wait3A_24 : memref<256x128xf32, #tpu.memory_space<hbm>>)
    %dma_wait3A_29 = arith.constant 1 : i32
    %dma_wait3A_30 = arith.constant 0 : i32
    %dma_wait3A_31 = arith.constant 0 : i32
    %dma_wait3A_32 = tpu.memref_slice %arg6[%dma_wait3A_29, %dma_wait3A_30, %dma_wait3A_31] : memref<2x256x128xf32, #tpu.memory_space<vmem>> -> memref<1x256x128xf32, #tpu.memory_space<vmem>>
    %dma_wait3A_33 = tpu.memref_squeeze %dma_wait3A_32 : memref<1x256x128xf32, #tpu.memory_space<vmem>> -> memref<256x128xf32, #tpu.memory_space<vmem>>
    %dma_wait3A_34 = arith.constant 0 : i32
    %dma_wait3A_35 = tpu.memref_slice %arg4[%mul3A_2, %dma_wait3A_34] : memref<262144x128xf32, #tpu.memory_space<hbm>> -> memref<256x128xf32, #tpu.memory_space<hbm>>
    %dma_wait3A_36 = arith.constant 0 : i32
    %dma_wait3A_37 = tpu.memref_slice %arg4[%mul3A_2, %dma_wait3A_36] : memref<262144x128xf32, #tpu.memory_space<hbm>> -> memref<256x128xf32, #tpu.memory_space<hbm>>
    %dma_wait3A_38 = arith.constant 0 : i32
    %dma_wait3A_39 = arith.constant 0 : i32
    %dma_wait3A_40 = tpu.memref_slice %arg6[%dma_wait3A_29, %dma_wait3A_38, %dma_wait3A_39] : memref<2x256x128xf32, #tpu.memory_space<vmem>> -> memref<1x256x128xf32, #tpu.memory_space<vmem>>
    %dma_wait3A_41 = tpu.memref_squeeze %dma_wait3A_40 : memref<1x256x128xf32, #tpu.memory_space<vmem>> -> memref<256x128xf32, #tpu.memory_space<vmem>>
    tpu.wait_dma2 semaphore(%arg10 : memref<!tpu.dma_semaphore, #tpu.memory_space<semaphore_mem>>) src(%dma_wait3A_41 : memref<256x128xf32, #tpu.memory_space<vmem>>) dst(%dma_wait3A_37 : memref<256x128xf32, #tpu.memory_space<hbm>>)
    return
  }
}

module attributes {stable_mosaic.version = 14 : i64} {
  func.func @_embed_body(%arg0: memref<4096x1xi32, #tpu.memory_space<vmem>>, %arg1: memref<128x128xf32, #tpu.memory_space<vmem>>, %arg2: memref<128x128xf32, #tpu.memory_space<vmem>>, %arg3: memref<4096x128xf32, #tpu.memory_space<vmem>>, %arg4: memref<4096x128xf32, #tpu.memory_space<vmem>>) attributes {dimension_semantics = [], scalar_prefetch = 0 : i64, scratch_operands = 0 : i64, tpu.core_type = #tpu.core_type<tc>} {
    %get3A = arith.constant 0 : index
    %get3A_0 = arith.constant 0 : index
    %get3A_1 = vector.load %arg0[%get3A, %get3A_0] : memref<4096x1xi32, #tpu.memory_space<vmem>>, vector<4096x1xi32>
    %iota3A = tpu.iota {dimensions = array<i32: 1>} : vector<4096x128xi32>
    %eq3A = vector.broadcast %get3A_1 : vector<4096x1xi32> to vector<4096x128xi32>
    %eq3A_2 = arith.cmpi eq, %eq3A, %iota3A : vector<4096x128xi32>
    %convert_element_type3A = arith.extui %eq3A_2 : vector<4096x128xi1> to vector<4096x128xi32>
    %convert_element_type3A_3 = arith.sitofp %convert_element_type3A : vector<4096x128xi32> to vector<4096x128xf32>
    %get3A_4 = arith.constant 0 : index
    %get3A_5 = arith.constant 0 : index
    %get3A_6 = vector.load %arg1[%get3A_4, %get3A_5] : memref<128x128xf32, #tpu.memory_space<vmem>>, vector<128x128xf32>
    %dot_general3A = arith.constant dense<0.000000e+00> : vector<4096x128xf32>
    %dot_general3A_7 = tpu.matmul %convert_element_type3A_3, %get3A_6, %dot_general3A {dimension_numbers = #tpu.dot_dimension_numbers<[1], [0], [0], [1], [0, 0, 1, 1], [], []>, transpose_lhs_hint = false} : vector<4096x128xf32>, vector<128x128xf32>, vector<4096x128xf32> -> vector<4096x128xf32>
    %swap3A = arith.constant 0 : index
    %swap3A_8 = arith.constant 0 : index
    %swap3A_9 = vector.load %arg3[%swap3A, %swap3A_8] : memref<4096x128xf32, #tpu.memory_space<vmem>>, vector<4096x128xf32>
    tpu.vector_store %arg3[%swap3A, %swap3A_8], %dot_general3A_7 {strides = array<i32>} : memref<4096x128xf32, #tpu.memory_space<vmem>>, vector<4096x128xf32>,
    %get3A_10 = arith.constant 0 : index
    %get3A_11 = arith.constant 0 : index
    %get3A_12 = vector.load %arg2[%get3A_10, %get3A_11] : memref<128x128xf32, #tpu.memory_space<vmem>>, vector<128x128xf32>
    %dot_general3A_13 = arith.constant dense<0.000000e+00> : vector<4096x128xf32>
    %dot_general3A_14 = tpu.matmul %dot_general3A_7, %get3A_12, %dot_general3A_13 {dimension_numbers = #tpu.dot_dimension_numbers<[1], [0], [0], [1], [0, 0, 1, 1], [], []>, transpose_lhs_hint = false} : vector<4096x128xf32>, vector<128x128xf32>, vector<4096x128xf32> -> vector<4096x128xf32>
    %swap3A_15 = arith.constant 0 : index
    %swap3A_16 = arith.constant 0 : index
    %swap3A_17 = vector.load %arg4[%swap3A_15, %swap3A_16] : memref<4096x128xf32, #tpu.memory_space<vmem>>, vector<4096x128xf32>
    tpu.vector_store %arg4[%swap3A_15, %swap3A_16], %dot_general3A_14 {strides = array<i32>} : memref<4096x128xf32, #tpu.memory_space<vmem>>, vector<4096x128xf32>,
    return
  }
}

module attributes {stable_mosaic.version = 14 : i64} {
  func.func @_interact_body(%arg0: i32, %arg1: memref<128x64xf32, #tpu.memory_space<vmem>>, %arg2: memref<8192x128xf32, #tpu.memory_space<vmem>>, %arg3: memref<128x128xf32, #tpu.memory_space<vmem>>, %arg4: memref<25x128xf32, #tpu.memory_space<vmem>>, %arg5: memref<128x128xf32, #tpu.memory_space<vmem>>, %arg6: memref<128x128xf32, #tpu.memory_space<vmem>>, %arg7: memref<128x128xf32, #tpu.memory_space<vmem>>, %arg8: memref<128x128xf32, #tpu.memory_space<vmem>>, %arg9: memref<128x128xf32, #tpu.memory_space<vmem>>, %arg10: memref<128x128xf32, #tpu.memory_space<vmem>>) attributes {dimension_semantics = [#tpu.dimension_semantics<arbitrary>], iteration_bounds = array<i64: 32>, scalar_prefetch = 0 : i64, scratch_operands = 0 : i64, tpu.core_type = #tpu.core_type<tc>, window_params = [{transform_indices = @transform_0, window_bounds = array<i64: 128, 64>}, {transform_indices = @transform_1, window_bounds = array<i64: 8192, 128>}, {transform_indices = @transform_2, window_bounds = array<i64: 128, 128>}, {pipeline_mode = #tpu.pipeline_mode<synchronous>, transform_indices = @transform_3, window_bounds = array<i64: 25, 128>}, {pipeline_mode = #tpu.pipeline_mode<synchronous>, transform_indices = @transform_4, window_bounds = array<i64: 128, 128>}, {pipeline_mode = #tpu.pipeline_mode<synchronous>, transform_indices = @transform_5, window_bounds = array<i64: 128, 128>}, {pipeline_mode = #tpu.pipeline_mode<synchronous>, transform_indices = @transform_6, window_bounds = array<i64: 128, 128>}, {pipeline_mode = #tpu.pipeline_mode<synchronous>, transform_indices = @transform_7, window_bounds = array<i64: 128, 128>}, {transform_indices = @transform_8, window_bounds = array<i64: 128, 128>}, {transform_indices = @transform_9, window_bounds = array<i64: 128, 128>}]} {
    %get3A = arith.constant 0 : index
    %get3A_0 = arith.constant 0 : index
    %get3A_1 = vector.load %arg1[%get3A, %get3A_0] : memref<128x64xf32, #tpu.memory_space<vmem>>, vector<128x64xf32>
    %max3A = arith.constant 1.000000e-10 : f32
    %max3A_2 = vector.broadcast %max3A : f32 to vector<128x64xf32>
    %max3A_3 = arith.maximumf %get3A_1, %max3A_2 : vector<128x64xf32>
    %sqrt3A = math.sqrt %max3A_3 : vector<128x64xf32>
    %iota3A = tpu.iota {dimensions = array<i32: 2>} : vector<128x64x25xi32>
    %convert_element_type3A = arith.sitofp %iota3A : vector<128x64x25xi32> to vector<128x64x25xf32>
    %mul3A = arith.constant 0.208333328 : f32
    %mul3A_4 = vector.broadcast %mul3A : f32 to vector<128x64x25xf32>
    %mul3A_5 = arith.mulf %convert_element_type3A, %mul3A_4 : vector<128x64x25xf32>
    %broadcast_in_dim3A = vector.shape_cast %sqrt3A : vector<128x64xf32> to vector<128x64x1xf32>
    %sub3A = vector.broadcast %broadcast_in_dim3A : vector<128x64x1xf32> to vector<128x64x25xf32>
    %sub3A_6 = arith.subf %sub3A, %mul3A_5 : vector<128x64x25xf32>
    %mul3A_7 = arith.mulf %sub3A_6, %sub3A_6 : vector<128x64x25xf32>
    %mul3A_8 = arith.constant -1.152000e+01 : f32
    %mul3A_9 = vector.broadcast %mul3A_8 : f32 to vector<128x64x25xf32>
    %mul3A_10 = arith.mulf %mul3A_9, %mul3A_7 : vector<128x64x25xf32>
    %exp3A = math.exp %mul3A_10 : vector<128x64x25xf32>
    %reshape3A = vector.shape_cast %exp3A : vector<128x64x25xf32> to vector<8192x25xf32>
    %get3A_11 = arith.constant 0 : index
    %get3A_12 = arith.constant 0 : index
    %get3A_13 = vector.load %arg4[%get3A_11, %get3A_12] : memref<25x128xf32, #tpu.memory_space<vmem>>, vector<25x128xf32>
    %dot_general3A = arith.constant dense<0.000000e+00> : vector<8192x128xf32>
    %dot_general3A_14 = tpu.matmul %reshape3A, %get3A_13, %dot_general3A {dimension_numbers = #tpu.dot_dimension_numbers<[1], [0], [0], [1], [0, 0, 1, 1], [], []>, transpose_lhs_hint = false} : vector<8192x25xf32>, vector<25x128xf32>, vector<8192x128xf32> -> vector<8192x128xf32>
    %max3A_15 = arith.constant 0.000000e+00 : f32
    %max3A_16 = vector.broadcast %max3A_15 : f32 to vector<8192x128xf32>
    %max3A_17 = arith.maximumf %dot_general3A_14, %max3A_16 : vector<8192x128xf32>
    %abs3A = math.absf %dot_general3A_14 : vector<8192x128xf32>
    %neg3A = arith.constant 0.000000e+00 : f32
    %neg3A_18 = vector.broadcast %neg3A : f32 to vector<8192x128xf32>
    %neg3A_19 = arith.subf %neg3A_18, %abs3A : vector<8192x128xf32>
    %exp3A_20 = math.exp %neg3A_19 : vector<8192x128xf32>
    %log1p3A = math.log1p %exp3A_20 : vector<8192x128xf32>
    %add3A = arith.addf %max3A_17, %log1p3A : vector<8192x128xf32>
    %sub3A_21 = arith.constant 0.693147182 : f32
    %sub3A_22 = vector.broadcast %sub3A_21 : f32 to vector<8192x128xf32>
    %sub3A_23 = arith.subf %add3A, %sub3A_22 : vector<8192x128xf32>
    %get3A_24 = arith.constant 0 : index
    %get3A_25 = arith.constant 0 : index
    %get3A_26 = vector.load %arg5[%get3A_24, %get3A_25] : memref<128x128xf32, #tpu.memory_space<vmem>>, vector<128x128xf32>
    %dot_general3A_27 = arith.constant dense<0.000000e+00> : vector<8192x128xf32>
    %dot_general3A_28 = tpu.matmul %sub3A_23, %get3A_26, %dot_general3A_27 {dimension_numbers = #tpu.dot_dimension_numbers<[1], [0], [0], [1], [0, 0, 1, 1], [], []>, transpose_lhs_hint = false} : vector<8192x128xf32>, vector<128x128xf32>, vector<8192x128xf32> -> vector<8192x128xf32>
    %get3A_29 = arith.constant 0 : index
    %get3A_30 = arith.constant 0 : index
    %get3A_31 = vector.load %arg2[%get3A_29, %get3A_30] : memref<8192x128xf32, #tpu.memory_space<vmem>>, vector<8192x128xf32>
    %mul3A_32 = arith.mulf %dot_general3A_28, %get3A_31 : vector<8192x128xf32>
    %reshape3A_33 = vector.shape_cast %mul3A_32 : vector<8192x128xf32> to vector<128x64x128xf32>
    %reduce_sum3A = arith.constant dense<0.000000e+00> : vector<128x128xf32>
    %reduce_sum3A_34 = vector.multi_reduction <add>, %reshape3A_33, %reduce_sum3A [1] : vector<128x64x128xf32> to vector<128x128xf32>
    %get3A_35 = arith.constant 0 : index
    %get3A_36 = arith.constant 0 : index
    %get3A_37 = vector.load %arg6[%get3A_35, %get3A_36] : memref<128x128xf32, #tpu.memory_space<vmem>>, vector<128x128xf32>
    %dot_general3A_38 = arith.constant dense<0.000000e+00> : vector<128x128xf32>
    %dot_general3A_39 = tpu.matmul %reduce_sum3A_34, %get3A_37, %dot_general3A_38 {dimension_numbers = #tpu.dot_dimension_numbers<[1], [0], [0], [1], [0, 0, 1, 1], [], []>, transpose_lhs_hint = false} : vector<128x128xf32>, vector<128x128xf32>, vector<128x128xf32> -> vector<128x128xf32>
    %max3A_40 = arith.constant 0.000000e+00 : f32
    %max3A_41 = vector.broadcast %max3A_40 : f32 to vector<128x128xf32>
    %max3A_42 = arith.maximumf %dot_general3A_39, %max3A_41 : vector<128x128xf32>
    %abs3A_43 = math.absf %dot_general3A_39 : vector<128x128xf32>
    %neg3A_44 = arith.constant 0.000000e+00 : f32
    %neg3A_45 = vector.broadcast %neg3A_44 : f32 to vector<128x128xf32>
    %neg3A_46 = arith.subf %neg3A_45, %abs3A_43 : vector<128x128xf32>
    %exp3A_47 = math.exp %neg3A_46 : vector<128x128xf32>
    %log1p3A_48 = math.log1p %exp3A_47 : vector<128x128xf32>
    %add3A_49 = arith.addf %max3A_42, %log1p3A_48 : vector<128x128xf32>
    %sub3A_50 = arith.constant 0.693147182 : f32
    %sub3A_51 = vector.broadcast %sub3A_50 : f32 to vector<128x128xf32>
    %sub3A_52 = arith.subf %add3A_49, %sub3A_51 : vector<128x128xf32>
    %get3A_53 = arith.constant 0 : index
    %get3A_54 = arith.constant 0 : index
    %get3A_55 = vector.load %arg7[%get3A_53, %get3A_54] : memref<128x128xf32, #tpu.memory_space<vmem>>, vector<128x128xf32>
    %dot_general3A_56 = arith.constant dense<0.000000e+00> : vector<128x128xf32>
    %dot_general3A_57 = tpu.matmul %sub3A_52, %get3A_55, %dot_general3A_56 {dimension_numbers = #tpu.dot_dimension_numbers<[1], [0], [0], [1], [0, 0, 1, 1], [], []>, transpose_lhs_hint = false} : vector<128x128xf32>, vector<128x128xf32>, vector<128x128xf32> -> vector<128x128xf32>
    %get3A_58 = arith.constant 0 : index
    %get3A_59 = arith.constant 0 : index
    %get3A_60 = vector.load %arg3[%get3A_58, %get3A_59] : memref<128x128xf32, #tpu.memory_space<vmem>>, vector<128x128xf32>
    %add3A_61 = arith.addf %get3A_60, %dot_general3A_57 : vector<128x128xf32>
    %swap3A = arith.constant 0 : index
    %swap3A_62 = arith.constant 0 : index
    %swap3A_63 = vector.load %arg9[%swap3A, %swap3A_62] : memref<128x128xf32, #tpu.memory_space<vmem>>, vector<128x128xf32>
    tpu.vector_store %arg9[%swap3A, %swap3A_62], %add3A_61 {strides = array<i32>} : memref<128x128xf32, #tpu.memory_space<vmem>>, vector<128x128xf32>,
    %get3A_64 = arith.constant 0 : index
    %get3A_65 = arith.constant 0 : index
    %get3A_66 = vector.load %arg8[%get3A_64, %get3A_65] : memref<128x128xf32, #tpu.memory_space<vmem>>, vector<128x128xf32>
    %dot_general3A_67 = arith.constant dense<0.000000e+00> : vector<128x128xf32>
    %dot_general3A_68 = tpu.matmul %add3A_61, %get3A_66, %dot_general3A_67 {dimension_numbers = #tpu.dot_dimension_numbers<[1], [0], [0], [1], [0, 0, 1, 1], [], []>, transpose_lhs_hint = false} : vector<128x128xf32>, vector<128x128xf32>, vector<128x128xf32> -> vector<128x128xf32>
    %swap3A_69 = arith.constant 0 : index
    %swap3A_70 = arith.constant 0 : index
    %swap3A_71 = vector.load %arg10[%swap3A_69, %swap3A_70] : memref<128x128xf32, #tpu.memory_space<vmem>>, vector<128x128xf32>
    tpu.vector_store %arg10[%swap3A_69, %swap3A_70], %dot_general3A_68 {strides = array<i32>} : memref<128x128xf32, #tpu.memory_space<vmem>>, vector<128x128xf32>,
    return
  }
  func.func @transform_0(%arg0: i32) -> (i32, i32) {
    %c0_i32 = arith.constant 0 : i32
    %c0_i32_0 = arith.constant 0 : i32
    return %arg0, %c0_i32 : i32, i32
  }
  func.func @transform_1(%arg0: i32) -> (i32, i32) {
    %c0_i32 = arith.constant 0 : i32
    %c0_i32_0 = arith.constant 0 : i32
    return %arg0, %c0_i32 : i32, i32
  }
  func.func @transform_2(%arg0: i32) -> (i32, i32) {
    %c0_i32 = arith.constant 0 : i32
    %c0_i32_0 = arith.constant 0 : i32
    return %arg0, %c0_i32 : i32, i32
  }
  func.func @transform_3(%arg0: i32) -> (i32, i32) {
    %c0_i32 = arith.constant 0 : i32
    %c0_i32_0 = arith.constant 0 : i32
    %c0_i32_1 = arith.constant 0 : i32
    return %c0_i32, %c0_i32_0 : i32, i32
  }
  func.func @transform_4(%arg0: i32) -> (i32, i32) {
    %c0_i32 = arith.constant 0 : i32
    %c0_i32_0 = arith.constant 0 : i32
    %c0_i32_1 = arith.constant 0 : i32
    return %c0_i32, %c0_i32_0 : i32, i32
  }
  func.func @transform_5(%arg0: i32) -> (i32, i32) {
    %c0_i32 = arith.constant 0 : i32
    %c0_i32_0 = arith.constant 0 : i32
    %c0_i32_1 = arith.constant 0 : i32
    return %c0_i32, %c0_i32_0 : i32, i32
  }
  func.func @transform_6(%arg0: i32) -> (i32, i32) {
    %c0_i32 = arith.constant 0 : i32
    %c0_i32_0 = arith.constant 0 : i32
    %c0_i32_1 = arith.constant 0 : i32
    return %c0_i32, %c0_i32_0 : i32, i32
  }
  func.func @transform_7(%arg0: i32) -> (i32, i32) {
    %c0_i32 = arith.constant 0 : i32
    %c0_i32_0 = arith.constant 0 : i32
    %c0_i32_1 = arith.constant 0 : i32
    return %c0_i32, %c0_i32_0 : i32, i32
  }
  func.func @transform_8(%arg0: i32) -> (i32, i32) {
    %c0_i32 = arith.constant 0 : i32
    %c0_i32_0 = arith.constant 0 : i32
    return %arg0, %c0_i32 : i32, i32
  }
  func.func @transform_9(%arg0: i32) -> (i32, i32) {
    %c0_i32 = arith.constant 0 : i32
    %c0_i32_0 = arith.constant 0 : i32
    return %arg0, %c0_i32 : i32, i32
  }
}

module attributes {stable_mosaic.version = 14 : i64} {
  func.func @_interact_body(%arg0: i32, %arg1: memref<128x64xf32, #tpu.memory_space<vmem>>, %arg2: memref<8192x128xf32, #tpu.memory_space<vmem>>, %arg3: memref<128x128xf32, #tpu.memory_space<vmem>>, %arg4: memref<25x128xf32, #tpu.memory_space<vmem>>, %arg5: memref<128x128xf32, #tpu.memory_space<vmem>>, %arg6: memref<128x128xf32, #tpu.memory_space<vmem>>, %arg7: memref<128x128xf32, #tpu.memory_space<vmem>>, %arg8: memref<128x128xf32, #tpu.memory_space<vmem>>, %arg9: memref<128x128xf32, #tpu.memory_space<vmem>>, %arg10: memref<128x128xf32, #tpu.memory_space<vmem>>) attributes {dimension_semantics = [#tpu.dimension_semantics<arbitrary>], iteration_bounds = array<i64: 32>, scalar_prefetch = 0 : i64, scratch_operands = 0 : i64, tpu.core_type = #tpu.core_type<tc>, window_params = [{transform_indices = @transform_0, window_bounds = array<i64: 128, 64>}, {transform_indices = @transform_1, window_bounds = array<i64: 8192, 128>}, {transform_indices = @transform_2, window_bounds = array<i64: 128, 128>}, {pipeline_mode = #tpu.pipeline_mode<synchronous>, transform_indices = @transform_3, window_bounds = array<i64: 25, 128>}, {pipeline_mode = #tpu.pipeline_mode<synchronous>, transform_indices = @transform_4, window_bounds = array<i64: 128, 128>}, {pipeline_mode = #tpu.pipeline_mode<synchronous>, transform_indices = @transform_5, window_bounds = array<i64: 128, 128>}, {pipeline_mode = #tpu.pipeline_mode<synchronous>, transform_indices = @transform_6, window_bounds = array<i64: 128, 128>}, {pipeline_mode = #tpu.pipeline_mode<synchronous>, transform_indices = @transform_7, window_bounds = array<i64: 128, 128>}, {transform_indices = @transform_8, window_bounds = array<i64: 128, 128>}, {transform_indices = @transform_9, window_bounds = array<i64: 128, 128>}]} {
    %get3A = arith.constant 0 : index
    %get3A_0 = arith.constant 0 : index
    %get3A_1 = vector.load %arg1[%get3A, %get3A_0] : memref<128x64xf32, #tpu.memory_space<vmem>>, vector<128x64xf32>
    %max3A = arith.constant 1.000000e-10 : f32
    %max3A_2 = vector.broadcast %max3A : f32 to vector<128x64xf32>
    %max3A_3 = arith.maximumf %get3A_1, %max3A_2 : vector<128x64xf32>
    %sqrt3A = math.sqrt %max3A_3 : vector<128x64xf32>
    %iota3A = tpu.iota {dimensions = array<i32: 2>} : vector<128x64x25xi32>
    %convert_element_type3A = arith.sitofp %iota3A : vector<128x64x25xi32> to vector<128x64x25xf32>
    %mul3A = arith.constant 0.208333328 : f32
    %mul3A_4 = vector.broadcast %mul3A : f32 to vector<128x64x25xf32>
    %mul3A_5 = arith.mulf %convert_element_type3A, %mul3A_4 : vector<128x64x25xf32>
    %broadcast_in_dim3A = vector.shape_cast %sqrt3A : vector<128x64xf32> to vector<128x64x1xf32>
    %sub3A = vector.broadcast %broadcast_in_dim3A : vector<128x64x1xf32> to vector<128x64x25xf32>
    %sub3A_6 = arith.subf %sub3A, %mul3A_5 : vector<128x64x25xf32>
    %mul3A_7 = arith.mulf %sub3A_6, %sub3A_6 : vector<128x64x25xf32>
    %mul3A_8 = arith.constant -1.152000e+01 : f32
    %mul3A_9 = vector.broadcast %mul3A_8 : f32 to vector<128x64x25xf32>
    %mul3A_10 = arith.mulf %mul3A_9, %mul3A_7 : vector<128x64x25xf32>
    %exp3A = math.exp %mul3A_10 : vector<128x64x25xf32>
    %reshape3A = vector.shape_cast %exp3A : vector<128x64x25xf32> to vector<8192x25xf32>
    %get3A_11 = arith.constant 0 : index
    %get3A_12 = arith.constant 0 : index
    %get3A_13 = vector.load %arg4[%get3A_11, %get3A_12] : memref<25x128xf32, #tpu.memory_space<vmem>>, vector<25x128xf32>
    %dot_general3A = arith.constant dense<0.000000e+00> : vector<8192x128xf32>
    %dot_general3A_14 = tpu.matmul %reshape3A, %get3A_13, %dot_general3A {dimension_numbers = #tpu.dot_dimension_numbers<[1], [0], [0], [1], [0, 0, 1, 1], [], []>, transpose_lhs_hint = false} : vector<8192x25xf32>, vector<25x128xf32>, vector<8192x128xf32> -> vector<8192x128xf32>
    %max3A_15 = arith.constant 0.000000e+00 : f32
    %max3A_16 = vector.broadcast %max3A_15 : f32 to vector<8192x128xf32>
    %max3A_17 = arith.maximumf %dot_general3A_14, %max3A_16 : vector<8192x128xf32>
    %abs3A = math.absf %dot_general3A_14 : vector<8192x128xf32>
    %neg3A = arith.constant 0.000000e+00 : f32
    %neg3A_18 = vector.broadcast %neg3A : f32 to vector<8192x128xf32>
    %neg3A_19 = arith.subf %neg3A_18, %abs3A : vector<8192x128xf32>
    %exp3A_20 = math.exp %neg3A_19 : vector<8192x128xf32>
    %log1p3A = math.log1p %exp3A_20 : vector<8192x128xf32>
    %add3A = arith.addf %max3A_17, %log1p3A : vector<8192x128xf32>
    %sub3A_21 = arith.constant 0.693147182 : f32
    %sub3A_22 = vector.broadcast %sub3A_21 : f32 to vector<8192x128xf32>
    %sub3A_23 = arith.subf %add3A, %sub3A_22 : vector<8192x128xf32>
    %get3A_24 = arith.constant 0 : index
    %get3A_25 = arith.constant 0 : index
    %get3A_26 = vector.load %arg5[%get3A_24, %get3A_25] : memref<128x128xf32, #tpu.memory_space<vmem>>, vector<128x128xf32>
    %dot_general3A_27 = arith.constant dense<0.000000e+00> : vector<8192x128xf32>
    %dot_general3A_28 = tpu.matmul %sub3A_23, %get3A_26, %dot_general3A_27 {dimension_numbers = #tpu.dot_dimension_numbers<[1], [0], [0], [1], [0, 0, 1, 1], [], []>, transpose_lhs_hint = false} : vector<8192x128xf32>, vector<128x128xf32>, vector<8192x128xf32> -> vector<8192x128xf32>
    %get3A_29 = arith.constant 0 : index
    %get3A_30 = arith.constant 0 : index
    %get3A_31 = vector.load %arg2[%get3A_29, %get3A_30] : memref<8192x128xf32, #tpu.memory_space<vmem>>, vector<8192x128xf32>
    %mul3A_32 = arith.mulf %dot_general3A_28, %get3A_31 : vector<8192x128xf32>
    %reshape3A_33 = vector.shape_cast %mul3A_32 : vector<8192x128xf32> to vector<128x64x128xf32>
    %reduce_sum3A = arith.constant dense<0.000000e+00> : vector<128x128xf32>
    %reduce_sum3A_34 = vector.multi_reduction <add>, %reshape3A_33, %reduce_sum3A [1] : vector<128x64x128xf32> to vector<128x128xf32>
    %get3A_35 = arith.constant 0 : index
    %get3A_36 = arith.constant 0 : index
    %get3A_37 = vector.load %arg6[%get3A_35, %get3A_36] : memref<128x128xf32, #tpu.memory_space<vmem>>, vector<128x128xf32>
    %dot_general3A_38 = arith.constant dense<0.000000e+00> : vector<128x128xf32>
    %dot_general3A_39 = tpu.matmul %reduce_sum3A_34, %get3A_37, %dot_general3A_38 {dimension_numbers = #tpu.dot_dimension_numbers<[1], [0], [0], [1], [0, 0, 1, 1], [], []>, transpose_lhs_hint = false} : vector<128x128xf32>, vector<128x128xf32>, vector<128x128xf32> -> vector<128x128xf32>
    %max3A_40 = arith.constant 0.000000e+00 : f32
    %max3A_41 = vector.broadcast %max3A_40 : f32 to vector<128x128xf32>
    %max3A_42 = arith.maximumf %dot_general3A_39, %max3A_41 : vector<128x128xf32>
    %abs3A_43 = math.absf %dot_general3A_39 : vector<128x128xf32>
    %neg3A_44 = arith.constant 0.000000e+00 : f32
    %neg3A_45 = vector.broadcast %neg3A_44 : f32 to vector<128x128xf32>
    %neg3A_46 = arith.subf %neg3A_45, %abs3A_43 : vector<128x128xf32>
    %exp3A_47 = math.exp %neg3A_46 : vector<128x128xf32>
    %log1p3A_48 = math.log1p %exp3A_47 : vector<128x128xf32>
    %add3A_49 = arith.addf %max3A_42, %log1p3A_48 : vector<128x128xf32>
    %sub3A_50 = arith.constant 0.693147182 : f32
    %sub3A_51 = vector.broadcast %sub3A_50 : f32 to vector<128x128xf32>
    %sub3A_52 = arith.subf %add3A_49, %sub3A_51 : vector<128x128xf32>
    %get3A_53 = arith.constant 0 : index
    %get3A_54 = arith.constant 0 : index
    %get3A_55 = vector.load %arg7[%get3A_53, %get3A_54] : memref<128x128xf32, #tpu.memory_space<vmem>>, vector<128x128xf32>
    %dot_general3A_56 = arith.constant dense<0.000000e+00> : vector<128x128xf32>
    %dot_general3A_57 = tpu.matmul %sub3A_52, %get3A_55, %dot_general3A_56 {dimension_numbers = #tpu.dot_dimension_numbers<[1], [0], [0], [1], [0, 0, 1, 1], [], []>, transpose_lhs_hint = false} : vector<128x128xf32>, vector<128x128xf32>, vector<128x128xf32> -> vector<128x128xf32>
    %get3A_58 = arith.constant 0 : index
    %get3A_59 = arith.constant 0 : index
    %get3A_60 = vector.load %arg3[%get3A_58, %get3A_59] : memref<128x128xf32, #tpu.memory_space<vmem>>, vector<128x128xf32>
    %add3A_61 = arith.addf %get3A_60, %dot_general3A_57 : vector<128x128xf32>
    %swap3A = arith.constant 0 : index
    %swap3A_62 = arith.constant 0 : index
    %swap3A_63 = vector.load %arg9[%swap3A, %swap3A_62] : memref<128x128xf32, #tpu.memory_space<vmem>>, vector<128x128xf32>
    tpu.vector_store %arg9[%swap3A, %swap3A_62], %add3A_61 {strides = array<i32>} : memref<128x128xf32, #tpu.memory_space<vmem>>, vector<128x128xf32>,
    %get3A_64 = arith.constant 0 : index
    %get3A_65 = arith.constant 0 : index
    %get3A_66 = vector.load %arg8[%get3A_64, %get3A_65] : memref<128x128xf32, #tpu.memory_space<vmem>>, vector<128x128xf32>
    %dot_general3A_67 = arith.constant dense<0.000000e+00> : vector<128x128xf32>
    %dot_general3A_68 = tpu.matmul %add3A_61, %get3A_66, %dot_general3A_67 {dimension_numbers = #tpu.dot_dimension_numbers<[1], [0], [0], [1], [0, 0, 1, 1], [], []>, transpose_lhs_hint = false} : vector<128x128xf32>, vector<128x128xf32>, vector<128x128xf32> -> vector<128x128xf32>
    %swap3A_69 = arith.constant 0 : index
    %swap3A_70 = arith.constant 0 : index
    %swap3A_71 = vector.load %arg10[%swap3A_69, %swap3A_70] : memref<128x128xf32, #tpu.memory_space<vmem>>, vector<128x128xf32>
    tpu.vector_store %arg10[%swap3A_69, %swap3A_70], %dot_general3A_68 {strides = array<i32>} : memref<128x128xf32, #tpu.memory_space<vmem>>, vector<128x128xf32>,
    return
  }
  func.func @transform_0(%arg0: i32) -> (i32, i32) {
    %c0_i32 = arith.constant 0 : i32
    %c0_i32_0 = arith.constant 0 : i32
    return %arg0, %c0_i32 : i32, i32
  }
  func.func @transform_1(%arg0: i32) -> (i32, i32) {
    %c0_i32 = arith.constant 0 : i32
    %c0_i32_0 = arith.constant 0 : i32
    return %arg0, %c0_i32 : i32, i32
  }
  func.func @transform_2(%arg0: i32) -> (i32, i32) {
    %c0_i32 = arith.constant 0 : i32
    %c0_i32_0 = arith.constant 0 : i32
    return %arg0, %c0_i32 : i32, i32
  }
  func.func @transform_3(%arg0: i32) -> (i32, i32) {
    %c0_i32 = arith.constant 0 : i32
    %c0_i32_0 = arith.constant 0 : i32
    %c0_i32_1 = arith.constant 0 : i32
    return %c0_i32, %c0_i32_0 : i32, i32
  }
  func.func @transform_4(%arg0: i32) -> (i32, i32) {
    %c0_i32 = arith.constant 0 : i32
    %c0_i32_0 = arith.constant 0 : i32
    %c0_i32_1 = arith.constant 0 : i32
    return %c0_i32, %c0_i32_0 : i32, i32
  }
  func.func @transform_5(%arg0: i32) -> (i32, i32) {
    %c0_i32 = arith.constant 0 : i32
    %c0_i32_0 = arith.constant 0 : i32
    %c0_i32_1 = arith.constant 0 : i32
    return %c0_i32, %c0_i32_0 : i32, i32
  }
  func.func @transform_6(%arg0: i32) -> (i32, i32) {
    %c0_i32 = arith.constant 0 : i32
    %c0_i32_0 = arith.constant 0 : i32
    %c0_i32_1 = arith.constant 0 : i32
    return %c0_i32, %c0_i32_0 : i32, i32
  }
  func.func @transform_7(%arg0: i32) -> (i32, i32) {
    %c0_i32 = arith.constant 0 : i32
    %c0_i32_0 = arith.constant 0 : i32
    %c0_i32_1 = arith.constant 0 : i32
    return %c0_i32, %c0_i32_0 : i32, i32
  }
  func.func @transform_8(%arg0: i32) -> (i32, i32) {
    %c0_i32 = arith.constant 0 : i32
    %c0_i32_0 = arith.constant 0 : i32
    return %arg0, %c0_i32 : i32, i32
  }
  func.func @transform_9(%arg0: i32) -> (i32, i32) {
    %c0_i32 = arith.constant 0 : i32
    %c0_i32_0 = arith.constant 0 : i32
    return %arg0, %c0_i32 : i32, i32
  }
}

</mosaic_0001>

<sc_bundles>
// kernel: kernel.10.cloned.1.call-start
scs
__scs_entry_jumppad:
0x0: {  	(pc) =	sbr.rel $0x88, $3  }
0x1: {  	(tag) =	ssettag $0x0;
	lr =	simm.s32 $0x1  }
0x2: {  	[smem:$0x3F98] =	sst lr;
	_ =	strace $0xD0000000  }
0x3: {  	_ = 	snop  }
0x4: {  	_ = 	snop  }
0x5: {  	_ = 	snop  }
0x6: {  	_ = 	snop  }
0x7: {  	_ = 	snop  }
__scs_overlays_trampoline_lowered:
0x8: {  	[smem:$0x3FA7] =	sst s0  }
0x9: {  	[smem:$0x3FA8] =	sst s1  }
0xa: {  	[smem:$0x3FA9] =	sst s2  }
0xb: {  	[smem:$0x3FAA] =	sst s3  }
0xc: {  	[smem:$0x3FAB] =	sst s4  }
0xd: {  	[smem:$0x3FAC] =	sst s5  }
0xe: {  	[smem:$0x3FAD] =	sst s6  }
0xf: {  	[smem:$0x3FAE] =	sst s7  }
0x10: {  	[smem:$0x3FAF] =	sst s8  }
0x11: {  	[smem:$0x3FB0] =	sst s9;
	s0 =	simm.s32 @!p0 $0x0  }
0x12: {  	s1 =	sld [smem:$0x3F96];
	s0 =	simm.s32 @p0 $0x1  }
0x13: {  	[smem:$0x3FB1] =	sst s0;
	s0 =	simm.s32 @!p1 $0x0  }
0x14: {  	s2 =	sld [smem:$0x3F95];
	s0 =	simm.s32 @p1 $0x1  }
0x15: {  	[smem:$0x3FB2] =	sst s0;
	s0 =	simm.s32 @!p2 $0x0  }
0x16: {  	s3 =	sld [smem:$0x3FDB];
	s0 =	simm.s32 @p2 $0x1  }
0x17: {  	s4 =	simm.s32 $0x1BF5;
	[smem:$0x3FB4] =	sst s0  }
0x18: {  	s0 =	sld [smem:$0x3F97];
	_ =	swait.ge [sflag:s4], $0x0  }
0x19: {  	s7 =	sld [smem:$0x3F98]  }
0x1a: {  	s8 =	sadd.s32 $0xFFFFE003, lr  }
0x1b: {  	s9 =	sadd.s32 $0xFFFFFEF7, lr;
	s5 =	simm.s32 $0xFFFFFFFF;
	p2 =	slt.u32 s8, $0xFFFFF086  }
0x1c: {  	p1 =	slt.u32 s9, $0xF7A;
	s5 =	simm.s32 @!p2 $0x0  }
0x1d: {  	s5 =	simm.s32 @p1 $0x1;
	p0 =	seq.s32 s7, s2  }
0x1e: {  	s7 =	smul.u32 @!p0 $0xF7A, s2;
	p2 =	seq.s32 @!p0 s5, $0x0  }
0x1f: {  	s9 =	smul.u32 $0xF7A, s1;
	s8 =	simm.s32 @!p0 $0x1BF5;
	p2 =	por !p2, p0  }
0x20: {  	[sflag:s8] =	ssyncset.s32 @!p0 $0xFFFFF086;
	s6 =	sadd.s32 @!p0 s3, s7;
	s7 =	simm.s32 @!p0 $0x108  }
0x21: {  	s3 =	sadd.s32 s3, s9;
	s6 =	sadd.s32 @!p0 $0x88, s6;
	s7 =	simm.s32 @p2 $0x1082  }
0x22: {  	[simem:s7], [sflag:s8] =	dma.local @!p0 [hbm:s6], $0xF7A  }
0x23: {  	s9 =	sor.u32 $0xD0000000, s2;
	s6 =	simm.s32 $0x108;
	_ =	swait.ge @!p0 [sflag:s8], $0x0  }
0x24: {  	s3 =	sadd.s32 $0x88, s3;
	s6 =	simm.s32 @!p1 $0x1082;
	[sflag:s4] =	ssyncset.s32 $0xFFFFF086  }
0x25: {  	[simem:s6], [sflag:s4] =	dma.local [hbm:s3], $0xF7A  }
0x26: {  	[smem:$0x3F98] =	sst s1;
	(tag) =	ssettag s2;
	_ =	strace s9  }
0x27: {  	s1 =	sld [smem:$0x3FA8]  }
0x28: {  	s2 =	sld [smem:$0x3FA9]  }
0x29: {  	s4 =	sld [smem:$0x3FAB]  }
0x2a: {  	p0 =	seq.s32 s5, $0x0;
	s5 =	sld [smem:$0x3FAC]  }
0x2b: {  	s6 =	sld [smem:$0x3FAD]  }
0x2c: {  	s7 =	sld [smem:$0x3FAE]  }
0x2d: {  	s3 =	simm.s32 $0x108;
	s8 =	sld [smem:$0x3FAF]  }
0x2e: {  	s3 =	simm.s32 @!p0 $0x1082;
	s9 =	sld [smem:$0x3FB0]  }
0x2f: {  	lr =	sadd.s32 s0, s3;
	s0 =	sld [smem:$0x3FA7]  }
0x30: {  	s3 =	sld [smem:$0x3FAA]  }
0x31: {  	[smem:$0x3FB3] =	sst s10  }
0x32: {  	s10 =	sld [smem:$0x3FB1];
	_ =	sdelay $0x3  }
0x33: {  	p0 =	seq.s32 s10, $0x1;
	s10 =	sld [smem:$0x3FB3];
	_ =	sdelay $0x3  }
0x34: {  	[smem:$0x3FB3] =	sst s10  }
0x35: {  	s10 =	sld [smem:$0x3FB2];
	_ =	sdelay $0x3  }
0x36: {  	p1 =	seq.s32 s10, $0x1;
	s10 =	sld [smem:$0x3FB3];
	_ =	sdelay $0x3  }
0x37: {  	[smem:$0x3FB3] =	sst s10  }
0x38: {  	s10 =	sld [smem:$0x3FB4]  }
0x39: {  	_ = 	snop;
	(pc) =	sbr.ind lr, $3  }
0x3a: {  	_ = 	snop  }
0x3b: {  	_ = 	snop  }
0x3c: {  	p2 =	seq.s32 s10, $0x1;
	s10 =	sld [smem:$0x3FB3]  }
0x3d: {  	_ =	shalt  }
0x3e: {  	_ =	shalt  }
0x3f: {  	_ =	shalt  }
0x40: {  	_ =	shalt  }
0x41: {  	_ =	shalt  }
0x42: {  	_ =	shalt  }
0x43: {  	_ =	shalt  }
0x44: {  	_ =	shalt  }
0x45: {  	_ =	shalt  }
0x46: {  	_ =	shalt  }
0x47: {  	_ =	shalt  }
0x48: {  	_ =	shalt  }
0x49: {  	_ =	shalt  }
0x4a: {  	_ =	shalt  }
0x4b: {  	_ =	shalt  }
0x4c: {  	_ =	shalt  }
0x4d: {  	_ =	shalt  }
0x4e: {  	_ =	shalt  }
0x4f: {  	_ =	shalt  }
0x50: {  	_ =	shalt  }
0x51: {  	_ =	shalt  }
0x52: {  	_ =	shalt  }
0x53: {  	_ =	shalt  }
0x54: {  	_ =	shalt  }
0x55: {  	_ =	shalt  }
0x56: {  	_ =	shalt  }
0x57: {  	_ =	shalt  }
0x58: {  	_ =	shalt  }
0x59: {  	_ =	shalt  }
0x5a: {  	_ =	shalt  }
0x5b: {  	_ =	shalt  }
0x5c: {  	_ =	shalt  }
0x5d: {  	_ =	shalt  }
0x5e: {  	_ =	shalt  }
0x5f: {  	_ =	shalt  }
0x60: {  	_ =	shalt  }
0x61: {  	_ =	shalt  }
0x62: {  	_ =	shalt  }
0x63: {  	_ =	shalt  }
0x64: {  	_ =	shalt  }
0x65: {  	_ =	shalt  }
0x66: {  	_ =	shalt  }
0x67: {  	_ =	shalt  }
0x68: {  	_ =	shalt  }
0x69: {  	_ =	shalt  }
0x6a: {  	_ =	shalt  }
0x6b: {  	_ =	shalt  }
0x6c: {  	_ =	shalt  }
0x6d: {  	_ =	shalt  }
0x6e: {  	_ =	shalt  }
0x6f: {  	_ =	shalt  }
0x70: {  	_ =	shalt  }
0x71: {  	_ =	shalt  }
0x72: {  	_ =	shalt  }
0x73: {  	_ =	shalt  }
0x74: {  	_ =	shalt  }
0x75: {  	_ =	shalt  }
0x76: {  	_ =	shalt  }
0x77: {  	_ =	shalt  }
0x78: {  	_ =	shalt  }
0x79: {  	_ =	shalt  }
0x7a: {  	_ =	shalt  }
0x7b: {  	_ =	shalt  }
0x7c: {  	_ =	shalt  }
0x7d: {  	_ =	shalt  }
0x7e: {  	_ =	shalt  }
0x7f: {  	_ =	shalt  }
0x80: {  	_ =	shalt  }
0x81: {  	_ =	shalt  }
0x82: {  	_ =	shalt  }
0x83: {  	_ =	shalt  }
0x84: {  	_ =	shalt  }
0x85: {  	_ =	shalt  }
0x86: {  	_ =	shalt  }
0x87: {  	_ =	shalt  }
.Lfunc_end0:
.L_simem_size_0:
called_computation.1_lowered:
.L_overlay_start_0:
0x88: {  	s2 =	sld [smem:$0x3FD9]  }
0x89: {  	s3 =	sld [smem:$0x3FFE];
	_ =	sdelay $0x1  }
0x8a: {  	s1 =	srdreg.scid  }
0x8b: {  	s0 =	sand.u32 $0x1, s1  }
0x8c: {  	s16 =	sshll.u32 s0, $0xA;
	s2 =	sadd.s32 s3, s2  }
0x8d: {  	s2 =	sadd.s32 s2, s16  }
0x8e: {  	[smem:$0x3FBF] =	sst s2  }
0x8f: {  	_ = 	snop  }
0x90: {  	(tm) =	ssettm $0x1  }
0x91: {  	s17 =	sld [smem:$0x3FFB];
	_ =	sdelay $0x3  }
0x92: {  	_ =	strace s17  }
0x93: {  	s2 =	sld [smem:$0x3FFC];
	_ =	sdelay $0x3  }
0x94: {  	_ =	strace s2  }
0x95: {  	s2 =	sld [smem:$0x3FFD];
	_ =	sdelay $0x3  }
0x96: {  	_ =	strace s2  }
0x97: {  	_ =	strace $0x8FFFFFFF  }
0x98: {  	s18 =	sld [smem:$0x3FDB];
	_ =	sdelay $0x1  }
0x99: {  	s19 =	simm.s32 $_scs_section_size  }
0x9a: {  	s4 =	simm.s32 $_size__tile_overlayer_lowered;
	s5 =	simm.s32 $_tile_overlayer_lowered  }
0x9b: {  	s22 =	simm.s32 $0x1BFF;
	s21 =	sshll.u32 s5, $0x1;
	s2 =	sadd.s32 s19, s18  }
0x9c: {  	s6 =	simm.s32 $0x0;
	s20 =	sshll.u32 s4, $0x1;
	s4 =	sadd.s32 s21, s2  }
0x9d: {  	[timem:s6], [sflag:s22] =	dma.local [hbm:s4], s20  }
0x9e: {  	_ =	swait.ge [sflag:s22], s20  }
0x9f: {  	s3 =	ssub.s32 $0x0, s20;
	[sflag:s22] =	ssyncset.done $0x0  }
0xa0: {  	[sflag:s22] =	ssyncadd.s32 s3;
	_ =	sdelay $0x1  }
0xa1: {  	s23 =	simm.s32 $0x1B8B  }
0xa2: {  	_ =	swait.ge [sflag:s23], $0x1  }
0xa3: {  	[sflag:s23] =	ssyncset.done $0x0  }
0xa4: {  	s25 =	simm.s32 $0x1B8E;
	s24 =	sld [smem:$0x3FFE];
	[sflag:s23] =	ssyncadd.s32 $0xFFFFFFFF  }
0xa5: {  	s26 =	simm.s32 $execute0_lowered;
	[smem:$0x3FD2] =	sst s25  }
0xa6: {  	s4 =	sshll.u32 s26, $0x1;
	_ =	strace $0x80000049;
	[dreg:$0x1] =	wrdreg $0xFFFFFFFF  }
0xa7: {  	s28 =	simm.s32 $_size_execute0_lowered;
	s2 =	sadd.s32 s2, s4;
	[dreg:$0x0] =	wrdreg $0x0  }
0xa8: {  	s4 =	sshll.u32 s28, $0x1;
	[dreg:$0x2] =	wrdreg s2  }
0xa9: {  	[dreg:$0x3] =	wrdreg s4  }
0xaa: {  	[dreg:$0x4] =	wrdreg $0xC0  }
0xab: {  	_ =	task [dreg:s6], $0x5FFFF  }
0xac: {  	[dreg:$0x1] =	wrdreg $0xFFFFFFFF  }
0xad: {  	[dreg:$0x0] =	wrdreg $0x60  }
0xae: {  	[dreg:$0x2] =	wrdreg s24  }
0xaf: {  	[dreg:$0x3] =	wrdreg $0x9  }
0xb0: {  	_ =	task.clear_ibuf [dreg:s6], $0x4FFFF;
	_ =	strace $0x90000049  }
0xb1: {  	s29 =	simm.s32 $0x9;
	_ =	strace $0x8000004B  }
0xb2: {  	_ =	swait.ge [sflag:s29], $0x1  }
0xb3: {  	[sflag:s29] =	ssyncadd.s32 $0xFFFFFFFF  }
0xb4: {  	_ =	strace $0x9000004B  }
0xb5: {  	_ =	sfence  }
0xb6: {  	s30 =	sld [smem:$0x0];
	_ =	sdelay $0x2  }
0xb7: {  	s31 =	sshll.u32 s1, $0xD;
	s1 =	sshrl.u32 s1, $0x2  }
0xb8: {  	s3 =	sand.u32 $0x4000, s31;
	s1 =	sadd.s32 s1, s30  }
0xb9: {  	s0 =	sor.u32 s3, s0;
	s1 =	sshll.u32 s1, $0x11  }
0xba: {  	s0 =	sor.u32 s1, s0  }
0xbb: {  	s0 =	sadd.s32 $0x8F2B, s0  }
0xbc: {  	[sflag:s0] =	ssyncadd.remote.s32 $0x1  }
0xbd: {  	_ =	sfence.sel $0xFFFF  }
0xbe: {  	[dreg:$0x0] =	wrdreg $0xFFFFFFFF;
	(pc) =	sbr.abs _section_cstart, $3  }
0xbf: {  	[dreg:$0x1] =	wrdreg $0xFFFFFFFF  }
0xc0: {  	_ =	task.clear_ibuf [dreg:s6], $0x2FFFF;
	_ =	strace $0x9FFFFFFF  }
0xc1: {  	(tm) =	ssettm $0x7FFFFFFF  }
tec
execute0_lowered:
.L_overlay_start_1:
0x0: {  	(tag) =	ssettag $0x1  }
0x1: {  	s4 =	rddreg [dreg:$0x0]  }
0x2: {  	s0 =	rddreg [dreg:$0x1]  }
0x3: {  	s3 =	srdreg.scid;
	s2 =	simm.s32 $0x0;
	s1 =	stileid.u32  }
0x4: {  	s12 =	simm.s32 $0x100;
	s13 =	simm.s32 $0x2000;
	s14 =	simm.s32 $0xA000  }
0x5: {  	s15 =	simm.s32 $0x1;
	s16 =	simm.s32 $0x3;
	s17 =	simm.s32 $0x200  }
0x6: {  	s18 =	simm.s32 $0x2;
	s19 =	simm.s32 $0x4;
	s20 =	simm.s32 $0x1F00  }
0x7: {  	s21 =	simm.s32 $0x0;
	s8 =	sand.u32 $0x1, s3;
	[smem:$0x7FF] =	sst s2  }
0x8: {  	s30 =	sshll.u32 s1, $0xE;
	s3 =	sadd.s32 $0xD600, s4;
	s9 =	sadd.s32 $0x416800, s4  }
0x9: {  	s10 =	sshll.u32 s1, $0x12;
	s5 =	sshll.u32 s8, $0xD;
	_ =	strace $0x8000004A  }
0xa: {  	s7 =	ssub.s32 $0x2, s8;
	s10 =	sadd.s32 s10, s9;
	s11 =	sshll.u32 s8, $0x11  }
0xb: {  	s5 =	sor.u32 s5, s30;
	s31 =	sshrl.u32 s7, $0x1;
	s10 =	sadd.s32 s11, s10  }
0xc: {  	s11 =	simm.s32 $0x5;
	s6 =	sshrl.u32 s5, $0x3;
	s7 =	ssub.s32 s7, s31  }
0xd: {  	s5 =	sshll.u32 s5, $0x4;
	s10 =	sadd.s32 $0x2000, s10;
	s6 =	sadd.s32 s6, s4  }
0xe: {  	s5 =	sadd.s32 s9, s5;
	s4 =	sadd.s32 $0x4600, s6;
	s6 =	smax.u32 s7, $0x1  }
0xf: {  	s7 =	sadd.s32 $0x1000, s5;
	s8 =	sadd.s32 $0x1E000, s5;
	s9 =	sadd.s32 $0x1F000, s5  }
.LBB2_1:
0x10: {  	[tilespmem:s2], [sflag:$0x5] =	stream.linear.gather [hbm4b:s4+s2], $0x2000, $0x38;
	[tilespmem:$0x12000] =	vst v63  }
0x11: {  	_ =	swait.ge [sflag:s11], $0x2000  }
0x12: {  	[sflag:s11] =	ssyncset.done $0x0  }
0x13: {  	[sflag:s11] =	ssyncadd.s32 $0xFFFFE000  }
0x14: {  	[tilespmem:s13], [sflag:$0x1] =	stream.indirect.gather [hbm4b:s3+s12], $0x80, s2, s12, $0xb8;
	[tilespmem:$0x12000] =	vst v63  }
0x15: {  	_ = 	snop  }
0x16: {  	[tilespmem:s14], [sflag:$0x2] =	stream.indirect.gather [hbm4b:s3+s12], $0x80, s12, s12, $0xb8;
	[tilespmem:$0x12000] =	vst v63  }
0x17: {  	_ =	swait.ge [sflag:s15], $0x8000  }
0x18: {  	[sflag:s15] =	ssyncset.done $0x0  }
0x19: {  	[sflag:s15] =	ssyncadd.s32 $0xFFFF8000  }
0x1a: {  	[hbm4b:s5+s2] =	stream.linear.scatter [tilespmem:s13], [sflag:$0x3], $0x8000, $0x38;
	[tilespmem:$0x12000] =	vst v63  }
0x1b: {  	_ =	swait.ge [sflag:s16], $0x8000  }
0x1c: {  	[sflag:s16] =	ssyncset.done $0x0  }
0x1d: {  	[sflag:s16] =	ssyncadd.s32 $0xFFFF8000  }
0x1e: {  	[tilespmem:s13], [sflag:$0x1] =	stream.indirect.gather [hbm4b:s3+s12], $0x80, s17, s12, $0xb8;
	[tilespmem:$0x12000] =	vst v63  }
0x1f: {  	_ =	swait.ge [sflag:s18], $0x8000  }
0x20: {  	[sflag:s18] =	ssyncset.done $0x0  }
0x21: {  	[sflag:s18] =	ssyncadd.s32 $0xFFFF8000  }
0x22: {  	[hbm4b:s7+s2] =	stream.linear.scatter [tilespmem:s14], [sflag:$0x4], $0x8000, $0x38;
	[tilespmem:$0x12000] =	vst v63  }
0x23: {  	_ =	swait.ge [sflag:s19], $0x8000  }
0x24: {  	[sflag:s19] =	ssyncset.done $0x0  }
0x25: {  	s22 =	simm.s32 $0x300;
	[sflag:s19] =	ssyncadd.s32 $0xFFFF8000  }
0x26: {  	[tilespmem:s14], [sflag:$0x2] =	stream.indirect.gather [hbm4b:s3+s12], $0x80, s22, s12, $0xb8;
	[tilespmem:$0x12000] =	vst v63  }
0x27: {  	_ =	swait.ge [sflag:s15], $0x8000  }
0x28: {  	[sflag:s15] =	ssyncset.done $0x0  }
0x29: {  	[sflag:s15] =	ssyncadd.s32 $0xFFFF8000  }
0x2a: {  	[hbm4b:s10+s2] =	stream.linear.scatter [tilespmem:s13], [sflag:$0x3], $0x8000, $0x38;
	[tilespmem:$0x12000] =	vst v63  }
0x2b: {  	_ =	swait.ge [sflag:s16], $0x8000  }
0x2c: {  	[sflag:s16] =	ssyncset.done $0x0  }
0x2d: {  	s31 =	simm.s32 $0x400;
	[sflag:s16] =	ssyncadd.s32 $0xFFFF8000  }
0x2e: {  	[tilespmem:s13], [sflag:$0x1] =	stream.indirect.gather [hbm4b:s3+s12], $0x80, s31, s12, $0xb8;
	[tilespmem:$0x12000] =	vst v63  }
0x2f: {  	_ =	swait.ge [sflag:s18], $0x8000  }
0x30: {  	s24 =	sadd.s32 $0x1000, s10;
	[sflag:s18] =	ssyncset.done $0x0  }
0x31: {  	s23 =	sadd.s32 $0x2000, s10;
	s22 =	simm.s32 $0x800;
	[sflag:s18] =	ssyncadd.s32 $0xFFFF8000  }
.LBB2_2:
0x32: {  	[hbm4b:s24+s2] =	stream.linear.scatter [tilespmem:s14], [sflag:$0x4], $0x8000, $0x38;
	[tilespmem:$0x12000] =	vst v63  }
0x33: {  	s24 =	smov.u32 s22  }
0x34: {  	p0 =	sne.s32 s22, $0x6800;
	s22 =	sadd.s32 $0x800, s22;
	_ =	swait.ge [sflag:s19], $0x8000  }
0x35: {  	s24 =	sshra.s32 s24, $0x2;
	[sflag:s19] =	ssyncset.done $0x0  }
0x36: {  	s25 =	sadd.s32 $0x300, s24;
	[sflag:s19] =	ssyncadd.s32 $0xFFFF8000  }
0x37: {  	[tilespmem:s14], [sflag:$0x2] =	stream.indirect.gather [hbm4b:s3+s12], $0x80, s25, s12, $0xb8;
	[tilespmem:$0x12000] =	vst v63  }
0x38: {  	_ =	swait.ge [sflag:s15], $0x8000  }
0x39: {  	[sflag:s15] =	ssyncset.done $0x0  }
0x3a: {  	[sflag:s15] =	ssyncadd.s32 $0xFFFF8000  }
0x3b: {  	[hbm4b:s23+s2] =	stream.linear.scatter [tilespmem:s13], [sflag:$0x3], $0x8000, $0x38;
	[tilespmem:$0x12000] =	vst v63  }
0x3c: {  	_ =	swait.ge [sflag:s16], $0x8000  }
0x3d: {  	[sflag:s16] =	ssyncset.done $0x0  }
.Ltmp0:
0x3e: {  	s24 =	sadd.s32 $0x400, s24;
	[sflag:s16] =	ssyncadd.s32 $0xFFFF8000;
	(pc) =	sbr.rel @p0 .LBB2_2-.Ltmp0, $4  }
0x3f: {  	[tilespmem:s13], [sflag:$0x1] =	stream.indirect.gather [hbm4b:s3+s12], $0x80, s24, s12, $0xb8;
	[tilespmem:$0x12000] =	vst v63  }
0x40: {  	_ =	swait.ge [sflag:s18], $0x8000  }
0x41: {  	[sflag:s18] =	ssyncset.done $0x0  }
0x42: {  	s24 =	sadd.s32 $0x1000, s23;
	s23 =	sadd.s32 $0x2000, s23;
	[sflag:s18] =	ssyncadd.s32 $0xFFFF8000  }
0x43: {  	[hbm4b:s24+s2] =	stream.linear.scatter [tilespmem:s14], [sflag:$0x4], $0x8000, $0x38;
	[tilespmem:$0x12000] =	vst v63  }
0x44: {  	_ =	swait.ge [sflag:s19], $0x8000  }
0x45: {  	[sflag:s19] =	ssyncset.done $0x0  }
0x46: {  	[sflag:s19] =	ssyncadd.s32 $0xFFFF8000  }
0x47: {  	[tilespmem:s14], [sflag:$0x2] =	stream.indirect.gather [hbm4b:s3+s12], $0x80, s20, s12, $0xb8;
	[tilespmem:$0x12000] =	vst v63  }
0x48: {  	_ =	swait.ge [sflag:s15], $0x8000  }
0x49: {  	[sflag:s15] =	ssyncset.done $0x0  }
0x4a: {  	[sflag:s15] =	ssyncadd.s32 $0xFFFF8000  }
0x4b: {  	[hbm4b:s8+s2] =	stream.linear.scatter [tilespmem:s13], [sflag:$0x3], $0x8000, $0x38;
	[tilespmem:$0x12000] =	vst v63  }
0x4c: {  	_ =	swait.ge [sflag:s18], $0x8000  }
0x4d: {  	[sflag:s18] =	ssyncset.done $0x0  }
0x4e: {  	s21 =	sadd.s32 $0x1, s21;
	[sflag:s18] =	ssyncadd.s32 $0xFFFF8000  }
0x4f: {  	[hbm4b:s9+s2] =	stream.linear.scatter [tilespmem:s14], [sflag:$0x4], $0x8000, $0x38;
	[tilespmem:$0x12000] =	vst v63  }
0x50: {  	p0 =	sne.s32 s21, s6;
	_ =	swait.ge [sflag:s16], $0x8000  }
.Ltmp1:
0x51: {  	[sflag:s16] =	ssyncset.done $0x0;
	(pc) =	sbr.rel @p0 .LBB2_1-.Ltmp1, $4  }
0x52: {  	[sflag:s16] =	ssyncadd.s32 $0xFFFF8000  }
0x53: {  	_ =	swait.ge [sflag:s19], $0x8000  }
0x54: {  	[sflag:s19] =	ssyncset.done $0x0  }
0x55: {  	[sflag:s19] =	ssyncadd.s32 $0xFFFF8000  }
0x56: {  	_ =	sfence.sel $0x180000  }
0x57: {  	[bflag:$0x0] =	sbarrier.arrive $0xFFFF  }
0x58: {  	p0 =	sne.s32 s1, $0x0;
	_ =	strace $0x9000004A  }
0x59: {  	s0 =	sadd.s32 @!p0 $0x100000, s0;
	[bflag:$0x2] =	sbarrier.arrive $0xFFFF  }
0x5a: {  	[sflag:s0] =	ssyncadd.tile.s32 @!p0 $0x1;
	_ =	shalt  }
.Lfunc_end2:
_tile_overlayer_lowered:
.L_overlay_start_2:
0x5b: {  	(tag) =	ssettag $0x2  }
0x5c: {  	s0 =	rddreg [dreg:$0x0];
	s2 =	stileid.u32  }
0x5d: {  	s1 =	rddreg [dreg:$0x1];
	p0 =	sne.s32 s2, $0x0  }
0x5e: {  	s3 =	rddreg [dreg:$0x2];
	[bflag:$0x3] =	sbarrier.arrive $0xFFFF;
	s2 =	simm.s32 @!p0 $0x1C05  }
0x5f: {  	[timem:s3], [sflag:s2] =	dma.local @!p0 [hbm:s0], s1  }
0x60: {  	s0 =	simm.s32 @!p0 $0x5  }
0x61: {  	_ =	swait.ge @!p0 [sflag:s0], s1  }
0x62: {  	s1 =	ssub.s32 @!p0 $0x0, s1;
	[sflag:s0] =	ssyncset.done @!p0 $0x0  }
0x63: {  	[sflag:s0] =	ssyncadd.s32 @!p0 s1  }
0x64: {  	[bflag:$0x3] =	sbarrier.arrive $0xFFFF  }
0x65: {  	_ =	shalt  }

// kernel: kernel.7.cloned.1.call-start
scs
__scs_entry_jumppad:
0x0: {  	(pc) =	sbr.rel $0x88, $3  }
0x1: {  	(tag) =	ssettag $0x0;
	lr =	simm.s32 $0x1  }
0x2: {  	[smem:$0x3F98] =	sst lr;
	_ =	strace $0xD0000000  }
0x3: {  	_ = 	snop  }
0x4: {  	_ = 	snop  }
0x5: {  	_ = 	snop  }
0x6: {  	_ = 	snop  }
0x7: {  	_ = 	snop  }
__scs_overlays_trampoline_lowered:
0x8: {  	[smem:$0x3FA7] =	sst s0  }
0x9: {  	[smem:$0x3FA8] =	sst s1  }
0xa: {  	[smem:$0x3FA9] =	sst s2  }
0xb: {  	[smem:$0x3FAA] =	sst s3  }
0xc: {  	[smem:$0x3FAB] =	sst s4  }
0xd: {  	[smem:$0x3FAC] =	sst s5  }
0xe: {  	[smem:$0x3FAD] =	sst s6  }
0xf: {  	[smem:$0x3FAE] =	sst s7  }
0x10: {  	[smem:$0x3FAF] =	sst s8  }
0x11: {  	[smem:$0x3FB0] =	sst s9;
	s0 =	simm.s32 @!p0 $0x0  }
0x12: {  	s1 =	sld [smem:$0x3F96];
	s0 =	simm.s32 @p0 $0x1  }
0x13: {  	[smem:$0x3FB1] =	sst s0;
	s0 =	simm.s32 @!p1 $0x0  }
0x14: {  	s2 =	sld [smem:$0x3F95];
	s0 =	simm.s32 @p1 $0x1  }
0x15: {  	[smem:$0x3FB2] =	sst s0;
	s0 =	simm.s32 @!p2 $0x0  }
0x16: {  	s3 =	sld [smem:$0x3FDB];
	s0 =	simm.s32 @p2 $0x1  }
0x17: {  	s4 =	simm.s32 $0x1BF5;
	[smem:$0x3FB4] =	sst s0  }
0x18: {  	s0 =	sld [smem:$0x3F97];
	_ =	swait.ge [sflag:s4], $0x0  }
0x19: {  	s7 =	sld [smem:$0x3F98]  }
0x1a: {  	s8 =	sadd.s32 $0xFFFFE003, lr  }
0x1b: {  	s9 =	sadd.s32 $0xFFFFFEF7, lr;
	s5 =	simm.s32 $0xFFFFFFFF;
	p2 =	slt.u32 s8, $0xFFFFF086  }
0x1c: {  	p1 =	slt.u32 s9, $0xF7A;
	s5 =	simm.s32 @!p2 $0x0  }
0x1d: {  	s5 =	simm.s32 @p1 $0x1;
	p0 =	seq.s32 s7, s2  }
0x1e: {  	s7 =	smul.u32 @!p0 $0xF7A, s2;
	p2 =	seq.s32 @!p0 s5, $0x0  }
0x1f: {  	s9 =	smul.u32 $0xF7A, s1;
	s8 =	simm.s32 @!p0 $0x1BF5;
	p2 =	por !p2, p0  }
0x20: {  	[sflag:s8] =	ssyncset.s32 @!p0 $0xFFFFF086;
	s6 =	sadd.s32 @!p0 s3, s7;
	s7 =	simm.s32 @!p0 $0x108  }
0x21: {  	s3 =	sadd.s32 s3, s9;
	s6 =	sadd.s32 @!p0 $0x88, s6;
	s7 =	simm.s32 @p2 $0x1082  }
0x22: {  	[simem:s7], [sflag:s8] =	dma.local @!p0 [hbm:s6], $0xF7A  }
0x23: {  	s9 =	sor.u32 $0xD0000000, s2;
	s6 =	simm.s32 $0x108;
	_ =	swait.ge @!p0 [sflag:s8], $0x0  }
0x24: {  	s3 =	sadd.s32 $0x88, s3;
	s6 =	simm.s32 @!p1 $0x1082;
	[sflag:s4] =	ssyncset.s32 $0xFFFFF086  }
0x25: {  	[simem:s6], [sflag:s4] =	dma.local [hbm:s3], $0xF7A  }
0x26: {  	[smem:$0x3F98] =	sst s1;
	(tag) =	ssettag s2;
	_ =	strace s9  }
0x27: {  	s1 =	sld [smem:$0x3FA8]  }
0x28: {  	s2 =	sld [smem:$0x3FA9]  }
0x29: {  	s4 =	sld [smem:$0x3FAB]  }
0x2a: {  	p0 =	seq.s32 s5, $0x0;
	s5 =	sld [smem:$0x3FAC]  }
0x2b: {  	s6 =	sld [smem:$0x3FAD]  }
0x2c: {  	s7 =	sld [smem:$0x3FAE]  }
0x2d: {  	s3 =	simm.s32 $0x108;
	s8 =	sld [smem:$0x3FAF]  }
0x2e: {  	s3 =	simm.s32 @!p0 $0x1082;
	s9 =	sld [smem:$0x3FB0]  }
0x2f: {  	lr =	sadd.s32 s0, s3;
	s0 =	sld [smem:$0x3FA7]  }
0x30: {  	s3 =	sld [smem:$0x3FAA]  }
0x31: {  	[smem:$0x3FB3] =	sst s10  }
0x32: {  	s10 =	sld [smem:$0x3FB1];
	_ =	sdelay $0x3  }
0x33: {  	p0 =	seq.s32 s10, $0x1;
	s10 =	sld [smem:$0x3FB3];
	_ =	sdelay $0x3  }
0x34: {  	[smem:$0x3FB3] =	sst s10  }
0x35: {  	s10 =	sld [smem:$0x3FB2];
	_ =	sdelay $0x3  }
0x36: {  	p1 =	seq.s32 s10, $0x1;
	s10 =	sld [smem:$0x3FB3];
	_ =	sdelay $0x3  }
0x37: {  	[smem:$0x3FB3] =	sst s10  }
0x38: {  	s10 =	sld [smem:$0x3FB4]  }
0x39: {  	_ = 	snop;
	(pc) =	sbr.ind lr, $3  }
0x3a: {  	_ = 	snop  }
0x3b: {  	_ = 	snop  }
0x3c: {  	p2 =	seq.s32 s10, $0x1;
	s10 =	sld [smem:$0x3FB3]  }
0x3d: {  	_ =	shalt  }
0x3e: {  	_ =	shalt  }
0x3f: {  	_ =	shalt  }
0x40: {  	_ =	shalt  }
0x41: {  	_ =	shalt  }
0x42: {  	_ =	shalt  }
0x43: {  	_ =	shalt  }
0x44: {  	_ =	shalt  }
0x45: {  	_ =	shalt  }
0x46: {  	_ =	shalt  }
0x47: {  	_ =	shalt  }
0x48: {  	_ =	shalt  }
0x49: {  	_ =	shalt  }
0x4a: {  	_ =	shalt  }
0x4b: {  	_ =	shalt  }
0x4c: {  	_ =	shalt  }
0x4d: {  	_ =	shalt  }
0x4e: {  	_ =	shalt  }
0x4f: {  	_ =	shalt  }
0x50: {  	_ =	shalt  }
0x51: {  	_ =	shalt  }
0x52: {  	_ =	shalt  }
0x53: {  	_ =	shalt  }
0x54: {  	_ =	shalt  }
0x55: {  	_ =	shalt  }
0x56: {  	_ =	shalt  }
0x57: {  	_ =	shalt  }
0x58: {  	_ =	shalt  }
0x59: {  	_ =	shalt  }
0x5a: {  	_ =	shalt  }
0x5b: {  	_ =	shalt  }
0x5c: {  	_ =	shalt  }
0x5d: {  	_ =	shalt  }
0x5e: {  	_ =	shalt  }
0x5f: {  	_ =	shalt  }
0x60: {  	_ =	shalt  }
0x61: {  	_ =	shalt  }
0x62: {  	_ =	shalt  }
0x63: {  	_ =	shalt  }
0x64: {  	_ =	shalt  }
0x65: {  	_ =	shalt  }
0x66: {  	_ =	shalt  }
0x67: {  	_ =	shalt  }
0x68: {  	_ =	shalt  }
0x69: {  	_ =	shalt  }
0x6a: {  	_ =	shalt  }
0x6b: {  	_ =	shalt  }
0x6c: {  	_ =	shalt  }
0x6d: {  	_ =	shalt  }
0x6e: {  	_ =	shalt  }
0x6f: {  	_ =	shalt  }
0x70: {  	_ =	shalt  }
0x71: {  	_ =	shalt  }
0x72: {  	_ =	shalt  }
0x73: {  	_ =	shalt  }
0x74: {  	_ =	shalt  }
0x75: {  	_ =	shalt  }
0x76: {  	_ =	shalt  }
0x77: {  	_ =	shalt  }
0x78: {  	_ =	shalt  }
0x79: {  	_ =	shalt  }
0x7a: {  	_ =	shalt  }
0x7b: {  	_ =	shalt  }
0x7c: {  	_ =	shalt  }
0x7d: {  	_ =	shalt  }
0x7e: {  	_ =	shalt  }
0x7f: {  	_ =	shalt  }
0x80: {  	_ =	shalt  }
0x81: {  	_ =	shalt  }
0x82: {  	_ =	shalt  }
0x83: {  	_ =	shalt  }
0x84: {  	_ =	shalt  }
0x85: {  	_ =	shalt  }
0x86: {  	_ =	shalt  }
0x87: {  	_ =	shalt  }
.Lfunc_end0:
.L_simem_size_0:
called_computation_lowered:
.L_overlay_start_0:
0x88: {  	s2 =	sld [smem:$0x3FD9]  }
0x89: {  	s3 =	sld [smem:$0x3FFE];
	_ =	sdelay $0x1  }
0x8a: {  	s1 =	srdreg.scid  }
0x8b: {  	s0 =	sand.u32 $0x1, s1  }
0x8c: {  	s17 =	sshll.u32 s0, $0xA;
	s2 =	sadd.s32 s3, s2  }
0x8d: {  	s2 =	sadd.s32 s2, s17  }
0x8e: {  	[smem:$0x3FBF] =	sst s2  }
0x8f: {  	_ = 	snop  }
0x90: {  	s2 =	sld [smem:$0x3FD0];
	(tm) =	ssettm $0x1  }
0x91: {  	s18 =	sld [smem:$0x3FFB];
	_ =	sdelay $0x3  }
0x92: {  	_ =	strace s18  }
0x93: {  	s3 =	sld [smem:$0x3FFC];
	_ =	sdelay $0x3  }
0x94: {  	_ =	strace s3  }
0x95: {  	s3 =	sld [smem:$0x3FFD];
	_ =	sdelay $0x3  }
0x96: {  	_ =	strace s3  }
0x97: {  	_ =	strace $0x8FFFFFFF  }
0x98: {  	s19 =	sld [smem:$0x3FDB];
	_ =	sdelay $0x1  }
0x99: {  	s4 =	simm.s32 $_scs_section_size  }
0x9a: {  	s5 =	simm.s32 $_size__tile_overlayer_lowered;
	s6 =	simm.s32 $_tile_overlayer_lowered  }
0x9b: {  	s22 =	simm.s32 $0x1BFF;
	s21 =	sshll.u32 s6, $0x1;
	s3 =	sadd.s32 s4, s19  }
0x9c: {  	s7 =	simm.s32 $0x0;
	s20 =	sshll.u32 s5, $0x1;
	s5 =	sadd.s32 s21, s3  }
0x9d: {  	[timem:s7], [sflag:s22] =	dma.local [hbm:s5], s20  }
0x9e: {  	_ =	swait.ge [sflag:s22], s20  }
0x9f: {  	s4 =	ssub.s32 $0x0, s20;
	[sflag:s22] =	ssyncset.done $0x0  }
0xa0: {  	[sflag:s22] =	ssyncadd.s32 s4;
	_ =	sdelay $0x1  }
0xa1: {  	s23 =	simm.s32 $0x1B8B  }
0xa2: {  	_ =	swait.ge [sflag:s23], $0x1  }
0xa3: {  	[sflag:s23] =	ssyncset.done $0x0  }
0xa4: {  	s25 =	simm.s32 $0x1B8E;
	s24 =	sld [smem:$0x3FFE];
	[sflag:s23] =	ssyncadd.s32 $0xFFFFFFFF  }
0xa5: {  	s26 =	simm.s32 $execute0_lowered;
	[smem:$0x3FD2] =	sst s25  }
0xa6: {  	s5 =	sshll.u32 s26, $0x1;
	_ =	strace $0x80000046;
	[dreg:$0x1] =	wrdreg $0xFFFFFFFF  }
0xa7: {  	s28 =	simm.s32 $_size_execute0_lowered;
	s3 =	sadd.s32 s3, s5;
	[dreg:$0x0] =	wrdreg $0x0  }
0xa8: {  	s5 =	sshll.u32 s28, $0x1;
	[dreg:$0x2] =	wrdreg s3  }
0xa9: {  	[dreg:$0x3] =	wrdreg s5  }
0xaa: {  	[dreg:$0x4] =	wrdreg $0xC0  }
0xab: {  	_ =	task [dreg:s7], $0x5FFFF  }
0xac: {  	[dreg:$0x1] =	wrdreg $0xFFFFFFFF  }
0xad: {  	[dreg:$0x0] =	wrdreg $0x60  }
0xae: {  	[dreg:$0x2] =	wrdreg s2  }
0xaf: {  	[dreg:$0x3] =	wrdreg s24  }
0xb0: {  	[dreg:$0x4] =	wrdreg $0x9  }
0xb1: {  	_ =	task.clear_ibuf [dreg:s7], $0x5FFFF;
	_ =	strace $0x90000046  }
0xb2: {  	s29 =	simm.s32 $0x9;
	_ =	strace $0x80000048  }
0xb3: {  	_ =	swait.ge [sflag:s29], $0x1  }
0xb4: {  	[sflag:s29] =	ssyncadd.s32 $0xFFFFFFFF  }
0xb5: {  	_ =	strace $0x90000048  }
0xb6: {  	_ =	sfence  }
0xb7: {  	s30 =	sld [smem:$0x0];
	_ =	sdelay $0x2  }
0xb8: {  	s31 =	sshll.u32 s1, $0xD;
	s1 =	sshrl.u32 s1, $0x2  }
0xb9: {  	s3 =	sand.u32 $0x4000, s31;
	s1 =	sadd.s32 s1, s30  }
0xba: {  	s0 =	sor.u32 s3, s0;
	s1 =	sshll.u32 s1, $0x11  }
0xbb: {  	s0 =	sor.u32 s1, s0  }
0xbc: {  	s0 =	sadd.s32 $0x8F2B, s0  }
0xbd: {  	[sflag:s0] =	ssyncadd.remote.s32 $0x1  }
0xbe: {  	_ =	sfence.sel $0xFFFF  }
0xbf: {  	[dreg:$0x0] =	wrdreg $0xFFFFFFFF;
	(pc) =	sbr.abs _section_cstart, $3  }
0xc0: {  	[dreg:$0x1] =	wrdreg $0xFFFFFFFF  }
0xc1: {  	_ =	task.clear_ibuf [dreg:s7], $0x2FFFF;
	_ =	strace $0x9FFFFFFF  }
0xc2: {  	(tm) =	ssettm $0x7FFFFFFF  }
0xc3: {  	_ =	shalt  }
tec
execute0_lowered:
.L_overlay_start_1:
0x0: {  	(tag) =	ssettag $0x1  }
0x1: {  	s0 =	srdreg.scid;
	s2 =	rddreg [dreg:$0x0]  }
0x2: {  	s3 =	stileid.u32;
	s1 =	rddreg [dreg:$0x1];
	s13 =	simm.s32 $0x5  }
0x3: {  	s14 =	simm.s32 $0x12000;
	s15 =	simm.s32 $0x13000;
	s16 =	simm.s32 $0x14000  }
0x4: {  	s17 =	simm.s32 $0x100;
	s18 =	simm.s32 $0x2000;
	s19 =	simm.s32 $0xA000  }
0x5: {  	s20 =	simm.s32 $0x1;
	s21 =	simm.s32 $0x15000;
	s22 =	simm.s32 $0x2  }
0x6: {  	s23 =	simm.s32 $0x3;
	s24 =	simm.s32 $0x4;
	s25 =	simm.s32 $0x0  }
0x7: {  	s0 =	sand.u32 $0x1, s0;
	s4 =	sshll.u32 s3, $0xE;
	s3 =	simm.s32 $0x0  }
0x8: {  	s6 =	sadd.s32 $0x4400, s1;
	s28 =	sadd.s32 $0x4200, s1;
	s29 =	sadd.s32 $0x4000, s1  }
0x9: {  	s8 =	sadd.s32 $0x15600, s1;
	s9 =	sadd.s32 $0xD600, s1;
	s5 =	sshll.u32 s0, $0xD  }
0xa: {  	[smem:$0x7FF] =	sst s3;
	s0 =	ssub.s32 $0x2, s0;
	s4 =	sor.u32 s5, s4  }
0xb: {  	_ =	strace $0x80000047;
	[dreg:$0x3] =	wrdreg s6;
	s5 =	sshrl.u32 s4, $0x3  }
0xc: {  	[dreg:$0x4] =	wrdreg s28;
	s30 =	sshrl.u32 s0, $0x1;
	s5 =	sadd.s32 s5, s1  }
0xd: {  	[dreg:$0x5] =	wrdreg s29;
	s0 =	ssub.s32 s0, s30;
	s31 =	sadd.s32 $0x4600, s5  }
0xe: {  	s12 =	sor.u32 $0x100, s4;
	s11 =	smax.u32 s0, $0x1;
	[dreg:$0x6] =	wrdreg s31  }
.LBB2_1:
0xf: {  	s0 =	rddreg [dreg:$0x6]  }
0x10: {  	[tilespmem:s3], [sflag:$0x5] =	stream.linear.gather [hbm4b:s0+s3], $0x2000, $0x38;
	[tilespmem:$0x15100] =	vst v63  }
0x11: {  	_ =	swait.ge [sflag:s13], $0x2000  }
0x12: {  	[sflag:s13] =	ssyncset.done $0x0  }
0x13: {  	s26 =	rddreg [dreg:$0x3];
	[sflag:s13] =	ssyncadd.s32 $0xFFFFE000  }
0x14: {  	[tilespmem:s14], [sflag:$0x5] =	stream.linear.gather [hbm4b:s26+s3], $0x1000, $0x38;
	[tilespmem:$0x15100] =	vst v63  }
0x15: {  	_ =	swait.ge [sflag:s13], $0x1000  }
0x16: {  	[sflag:s13] =	ssyncset.done $0x0  }
0x17: {  	s30 =	rddreg [dreg:$0x4];
	[sflag:s13] =	ssyncadd.s32 $0xFFFFF000  }
0x18: {  	[tilespmem:s15], [sflag:$0x5] =	stream.linear.gather [hbm4b:s30+s3], $0x1000, $0x38;
	[tilespmem:$0x15100] =	vst v63  }
0x19: {  	_ =	swait.ge [sflag:s13], $0x1000  }
0x1a: {  	[sflag:s13] =	ssyncset.done $0x0  }
0x1b: {  	s31 =	rddreg [dreg:$0x5];
	[sflag:s13] =	ssyncadd.s32 $0xFFFFF000  }
0x1c: {  	[tilespmem:s16], [sflag:$0x5] =	stream.linear.gather [hbm4b:s31+s3], $0x1000, $0x38;
	[tilespmem:$0x15100] =	vst v63  }
0x1d: {  	_ =	swait.ge [sflag:s13], $0x1000  }
0x1e: {  	s28 =	smov.u32 s4;
	[sflag:s13] =	ssyncset.done $0x0  }
0x1f: {  	s29 =	simm.s32 $0x0;
	s26 =	smov.u32 s12;
	[sflag:s13] =	ssyncadd.s32 $0xFFFFF000  }
0x20: {  	[tilespmem:s18], [sflag:$0x1] =	stream.indirect.gather [hbm4b:s2+s17], $0x80, s3, s17, $0xb8;
	[tilespmem:$0x15100] =	vst v63  }
.LBB2_2:
0x21: {  	p0 =	seq.s32 s29, $0x0  }
0x22: {  	s0 =	simm.s32 @!p0 $0x4  }
0x23: {  	s1 =	sshllo.u32 s29, $0x1;
	s6 =	simm.s32 $0x0;
	_ =	swait.ge @!p0 [sflag:s0], $0x8000  }
0x24: {  	s31 =	sshll.u32 s29, $0x9;
	s30 =	sshll.u32 s1, $0x8;
	[sflag:s0] =	ssyncset.done @!p0 $0x0  }
0x25: {  	s5 =	sand.u32 $0x3FFFFF00, s30;
	[sflag:s0] =	ssyncadd.s32 @!p0 $0xFFFF8000;
	s0 =	sand.u32 $0x80, s6  }
0x26: {  	[tilespmem:s19], [sflag:$0x2] =	stream.indirect.gather [hbm4b:s2+s17], $0x80, s5, s17, $0xb8;
	[tilespmem:$0x15100] =	vst v63  }
0x27: {  	s10 =	sand.u32 $0x70, s6;
	s0 =	sadd.s32 s0, s31  }
0x28: {  	s7 =	sadd.s32 $0x0, s28;
	s5 =	sand.u32 $0x3, s6;
	s0 =	sadd.s32 s10, s0  }
0x29: {  	p4 =	seq.s32 s7, $0x0;
	p1 =	sne.s32 s5, $0x0;
	v0 =	vld [tilespmem:s0+$0x0]  }
0x2a: {  	p0 =	por !p1, !p4  }
0x2b: {  	s6 =	simm.s32 $0x1;
	p0 =	por !p0, !p0  }
0x2c: {  	s1 =	sshrl.u32 s7, $0x6;
	s6 =	simm.s32 @!p0 $0x0  }
0x2d: {  	s6 =	ssub.s32 s1, s6  }
0x2e: {  	v1 =	vmov s6;
	_ =	sdelay $0x2  }
0x2f: {  	v4 =	vld.idx.msk [tilespmem:v0+s14+$0x0], $0xffff  }
0x30: {  	v5 =	vld.idx.msk [tilespmem:v0+s15+$0x0], $0xffff  }
0x31: {  	v2 =	vld.idx.msk [tilespmem:v1+s14+$0x0], $0xffff  }
0x32: {  	v3 =	vld.idx.msk [tilespmem:v1+s15+$0x0], $0xffff  }
0x33: {  	v0 =	vld.idx.msk [tilespmem:v0+s16+$0x0], $0xffff  }
0x34: {  	v1 =	vld.idx.msk [tilespmem:v1+s16+$0x0], $0xffff;
	_ =	sdelay $0x2  }
0x35: {  	v2 =	vsub.f32 v4, v2;
	v3 =	vsub.f32 v5, v3  }
0x36: {  	s7 =	simm.s32 $0x1  }
0x37: {  	s5 =	sand.u32 $0x3, s7;
	v0 =	vsub.f32 v0, v1;
	v1 =	vmul.f32 v2, v2;
	v2 =	vmul.f32 v3, v3  }
0x38: {  	s0 =	simm.s32 $0x10;
	p6 =	sne.s32 s5, $0x0;
	s6 =	sadd.s32 $0x10, s28  }
0x39: {  	s5 =	simm.s32 $0x2;
	s10 =	sand.u32 $0x80, s0;
	p5 =	seq.s32 s6, $0x0;
	v0 =	vmul.f32 v0, v0;
	v1 =	vadd.f32 v2, v1  }
0x3a: {  	s7 =	sand.u32 $0x70, s0;
	s10 =	sadd.s32 s10, s31;
	p0 =	por !p6, !p5  }
0x3b: {  	s1 =	simm.s32 $0x15000;
	s6 =	sshrl.u32 s6, $0x6;
	p1 =	por !p0, !p0;
	v0 =	vadd.f32 v0, v1  }
.LBB2_3:
0x3c: {  	s7 =	sadd.s32 s7, s10;
	s10 =	simm.s32 $0x1  }
0x3d: {  	p0 =	sne.s32 s5, $0xF;
	[tilespmem:s1+$0x0] =	vst v0;
	s10 =	simm.s32 @!p1 $0x0  }
0x3e: {  	v0 =	vld [tilespmem:s7+$0x0];
	s6 =	ssub.s32 s6, s10  }
0x3f: {  	v1 =	vmov s6;
	_ =	sdelay $0x4  }
0x40: {  	v2 =	vld.idx.msk [tilespmem:v1+s14+$0x0], $0xffff  }
0x41: {  	v3 =	vld.idx.msk [tilespmem:v1+s15+$0x0], $0xffff  }
0x42: {  	v4 =	vld.idx.msk [tilespmem:v0+s14+$0x0], $0xffff  }
0x43: {  	v5 =	vld.idx.msk [tilespmem:v0+s15+$0x0], $0xffff  }
0x44: {  	v1 =	vld.idx.msk [tilespmem:v1+s16+$0x0], $0xffff  }
0x45: {  	v0 =	vld.idx.msk [tilespmem:v0+s16+$0x0], $0xffff;
	_ =	sdelay $0x3  }
0x46: {  	v2 =	vsub.f32 v4, v2;
	v3 =	vsub.f32 v5, v3;
	_ =	sdelay $0x1  }
0x47: {  	v0 =	vsub.f32 v0, v1;
	v1 =	vmul.f32 v2, v2;
	v2 =	vmul.f32 v3, v3  }
.Ltmp0:
0x48: {  	s0 =	sadd.s32 $0x10, s0;
	(pc) =	sbr.rel @p0 .LBB2_3-.Ltmp0, $4  }
0x49: {  	s1 =	sadd.s32 $0x10, s1;
	s10 =	sand.u32 $0x3, s5;
	s6 =	sadd.s32 s0, s28;
	v1 =	vadd.f32 v2, v1;
	v0 =	vmul.f32 v0, v0  }
0x4a: {  	s7 =	sand.u32 $0x70, s0;
	p2 =	sne.s32 s10, $0x0;
	p1 =	seq.s32 s6, $0x0  }
0x4b: {  	s10 =	sand.u32 $0x80, s0;
	s6 =	sshrl.u32 s6, $0x6;
	p1 =	por !p2, !p1;
	v0 =	vadd.f32 v0, v1  }
0x4c: {  	s5 =	sadd.s32 $0x1, s5;
	s10 =	sadd.s32 s10, s31;
	p1 =	por !p1, !p1  }
0x4d: {  	s0 =	simm.s32 $0x1  }
0x4e: {  	s5 =	sadd.s32 s7, s10;
	[tilespmem:s1+$0x0] =	vst v0;
	s0 =	simm.s32 @!p1 $0x0  }
0x4f: {  	v0 =	vld [tilespmem:s5+$0x0];
	s0 =	ssub.s32 s6, s0  }
0x50: {  	v1 =	vmov s0;
	_ =	sdelay $0x4  }
0x51: {  	v2 =	vld.idx.msk [tilespmem:v1+s14+$0x0], $0xffff  }
0x52: {  	v3 =	vld.idx.msk [tilespmem:v1+s15+$0x0], $0xffff  }
0x53: {  	v4 =	vld.idx.msk [tilespmem:v0+s14+$0x0], $0xffff  }
0x54: {  	v5 =	vld.idx.msk [tilespmem:v0+s15+$0x0], $0xffff  }
0x55: {  	v1 =	vld.idx.msk [tilespmem:v1+s16+$0x0], $0xffff  }
0x56: {  	v0 =	vld.idx.msk [tilespmem:v0+s16+$0x0], $0xffff;
	_ =	sdelay $0x2  }
0x57: {  	v2 =	vsub.f32 v4, v2;
	v3 =	vsub.f32 v5, v3;
	_ =	sdelay $0x1  }
0x58: {  	v0 =	vsub.f32 v0, v1;
	v1 =	vmul.f32 v2, v2;
	v2 =	vmul.f32 v3, v3;
	_ =	sdelay $0x1  }
0x59: {  	v0 =	vmul.f32 v0, v0;
	v1 =	vadd.f32 v2, v1;
	_ =	sdelay $0x1  }
0x5a: {  	s6 =	sadd.s32 s4, s31;
	v0 =	vadd.f32 v0, v1  }
0x5b: {  	s7 =	sadd.s32 $0x10, s1;
	s10 =	sshrl.u32 s6, $0x3  }
0x5c: {  	s31 =	sadd.s32 s9, s10;
	[tilespmem:s7+$0x0] =	vst v0  }
0x5d: {  	[hbm4b:s31+s3] =	stream.linear.scatter [tilespmem:s21], [sflag:$0x5], $0x100, $0x38;
	[tilespmem:$0x15100] =	vst v63  }
0x5e: {  	_ =	swait.ge [sflag:s13], $0x100  }
0x5f: {  	[sflag:s13] =	ssyncset.done $0x0  }
0x60: {  	[sflag:s13] =	ssyncadd.s32 $0xFFFFFF00  }
0x61: {  	_ =	swait.ge [sflag:s20], $0x8000  }
0x62: {  	s0 =	sshll.u32 s6, $0x4;
	[sflag:s20] =	ssyncset.done $0x0  }
0x63: {  	p0 =	seq.s32 s29, $0xF;
	s0 =	sadd.s32 s8, s0;
	[sflag:s20] =	ssyncadd.s32 $0xFFFF8000  }
0x64: {  	[hbm4b:s0+s3] =	stream.linear.scatter [tilespmem:s18], [sflag:$0x3], $0x8000, $0x38;
	[tilespmem:$0x15100] =	vst v63  }
0x65: {  	s0 =	simm.s32 @!p0 $0x3  }
0x66: {  	_ =	swait.ge @!p0 [sflag:s0], $0x8000  }
0x67: {  	s1 =	sshll.u32 @!p0 s29, $0x9;
	[sflag:s0] =	ssyncset.done @!p0 $0x0  }
0x68: {  	[sflag:s0] =	ssyncadd.s32 @!p0 $0xFFFF8000;
	s0 =	sand.u32 @!p0 $0x3FFFFE00, s1  }
0x69: {  	s5 =	simm.s32 @!p0 $0x2000;
	s1 =	simm.s32 @!p0 $0x100;
	s0 =	sadd.s32 @!p0 $0x200, s0  }
0x6a: {  	[tilespmem:s5], [sflag:$0x1] =	stream.indirect.gather @!p0 [hbm4b:s2+s1], $0x80, s0, s1, $0xb8;
	[tilespmem:$0x15100] =	vst v63  }
0x6b: {  	s5 =	simm.s32 $0x0  }
0x6c: {  	s6 =	sand.u32 $0x80, s5  }
0x6d: {  	s0 =	sand.u32 $0x70, s5;
	s1 =	sadd.s32 s6, s30  }
0x6e: {  	s7 =	sadd.s32 $0x0, s26;
	s0 =	sadd.s32 s0, s1  }
0x6f: {  	s10 =	sshrl.u32 s7, $0x6;
	v0 =	vld [tilespmem:s0+$0x0]  }
0x70: {  	v1 =	vmov s10;
	_ =	sdelay $0x4  }
0x71: {  	v2 =	vld.idx.msk [tilespmem:v1+s14+$0x0], $0xffff  }
0x72: {  	v3 =	vld.idx.msk [tilespmem:v1+s15+$0x0], $0xffff  }
0x73: {  	v62 =	vld.idx.msk [tilespmem:v0+s14+$0x0], $0xffff  }
0x74: {  	v63 =	vld.idx.msk [tilespmem:v0+s15+$0x0], $0xffff  }
0x75: {  	v1 =	vld.idx.msk [tilespmem:v1+s16+$0x0], $0xffff  }
0x76: {  	v0 =	vld.idx.msk [tilespmem:v0+s16+$0x0], $0xffff;
	_ =	sdelay $0x2  }
0x77: {  	v2 =	vsub.f32 v62, v2;
	v3 =	vsub.f32 v63, v3;
	_ =	sdelay $0x1  }
0x78: {  	v0 =	vsub.f32 v0, v1;
	v1 =	vmul.f32 v2, v2;
	v2 =	vmul.f32 v3, v3;
	_ =	sdelay $0x1  }
0x79: {  	v0 =	vmul.f32 v0, v0;
	v1 =	vadd.f32 v2, v1  }
0x7a: {  	s0 =	simm.s32 $0x10  }
0x7b: {  	s5 =	simm.s32 $0x20;
	s31 =	sand.u32 $0x80, s0;
	v0 =	vadd.f32 v0, v1  }
0x7c: {  	s1 =	simm.s32 $0x15000;
	s6 =	sand.u32 $0x70, s0;
	s7 =	sadd.s32 s31, s30  }
.LBB2_5:
0x7d: {  	p0 =	sne.s32 s5, $0xF0;
	s6 =	sadd.s32 s6, s7;
	s0 =	sadd.s32 s0, s26;
	[tilespmem:s1+$0x0] =	vst v0  }
0x7e: {  	v0 =	vld [tilespmem:s6+$0x0];
	s6 =	sshrl.u32 s0, $0x6;
	s0 =	smov.u32 s5  }
0x7f: {  	v1 =	vmov s6;
	_ =	sdelay $0x4  }
0x80: {  	v2 =	vld.idx.msk [tilespmem:v1+s14+$0x0], $0xffff  }
0x81: {  	v3 =	vld.idx.msk [tilespmem:v1+s15+$0x0], $0xffff  }
0x82: {  	v4 =	vld.idx.msk [tilespmem:v0+s14+$0x0], $0xffff  }
0x83: {  	v5 =	vld.idx.msk [tilespmem:v0+s15+$0x0], $0xffff  }
0x84: {  	v1 =	vld.idx.msk [tilespmem:v1+s16+$0x0], $0xffff  }
0x85: {  	v0 =	vld.idx.msk [tilespmem:v0+s16+$0x0], $0xffff;
	_ =	sdelay $0x3  }
0x86: {  	v2 =	vsub.f32 v4, v2;
	v3 =	vsub.f32 v5, v3;
	_ =	sdelay $0x1  }
0x87: {  	v0 =	vsub.f32 v0, v1;
	v1 =	vmul.f32 v2, v2;
	v2 =	vmul.f32 v3, v3  }
.Ltmp1:
0x88: {  	(pc) =	sbr.rel @p0 .LBB2_5-.Ltmp1, $3  }
0x89: {  	v1 =	vadd.f32 v2, v1;
	v0 =	vmul.f32 v0, v0;
	_ =	sdelay $0x1  }
0x8a: {  	s7 =	sand.u32 $0x80, s5;
	s1 =	sadd.s32 $0x10, s1;
	v0 =	vadd.f32 v0, v1  }
0x8b: {  	s7 =	sadd.s32 s7, s30;
	s5 =	sadd.s32 $0x10, s5;
	s6 =	sand.u32 $0x70, s0  }
0x8c: {  	s5 =	sadd.s32 s6, s7;
	s0 =	sadd.s32 s0, s26;
	[tilespmem:s1+$0x0] =	vst v0  }
0x8d: {  	v0 =	vld [tilespmem:s5+$0x0];
	s0 =	sshrl.u32 s0, $0x6  }
0x8e: {  	v1 =	vmov s0;
	_ =	sdelay $0x4  }
0x8f: {  	v2 =	vld.idx.msk [tilespmem:v1+s14+$0x0], $0xffff  }
0x90: {  	v3 =	vld.idx.msk [tilespmem:v1+s15+$0x0], $0xffff  }
0x91: {  	v4 =	vld.idx.msk [tilespmem:v0+s14+$0x0], $0xffff  }
0x92: {  	v5 =	vld.idx.msk [tilespmem:v0+s15+$0x0], $0xffff  }
0x93: {  	v1 =	vld.idx.msk [tilespmem:v1+s16+$0x0], $0xffff  }
0x94: {  	v0 =	vld.idx.msk [tilespmem:v0+s16+$0x0], $0xffff;
	_ =	sdelay $0x2  }
0x95: {  	v2 =	vsub.f32 v4, v2;
	v3 =	vsub.f32 v5, v3;
	_ =	sdelay $0x1  }
0x96: {  	v0 =	vsub.f32 v0, v1;
	v62 =	vmul.f32 v2, v2;
	v63 =	vmul.f32 v3, v3;
	_ =	sdelay $0x1  }
0x97: {  	v0 =	vmul.f32 v0, v0;
	v1 =	vadd.f32 v63, v62;
	_ =	sdelay $0x1  }
0x98: {  	s7 =	sadd.s32 s4, s30;
	v0 =	vadd.f32 v0, v1  }
0x99: {  	s10 =	sadd.s32 $0x10, s1;
	s30 =	sshrl.u32 s7, $0x3  }
0x9a: {  	s31 =	sadd.s32 s9, s30;
	[tilespmem:s10+$0x0] =	vst v0  }
0x9b: {  	[hbm4b:s31+s3] =	stream.linear.scatter [tilespmem:s21], [sflag:$0x5], $0x100, $0x38;
	[tilespmem:$0x15100] =	vst v63  }
0x9c: {  	s29 =	sadd.s32 $0x1, s29;
	_ =	swait.ge [sflag:s13], $0x100  }
0x9d: {  	p0 =	sne.s32 s29, $0x10;
	[sflag:s13] =	ssyncset.done $0x0  }
.Ltmp2:
0x9e: {  	[sflag:s13] =	ssyncadd.s32 $0xFFFFFF00;
	(pc) =	sbr.rel @p0 .LBB2_2-.Ltmp2, $4  }
0x9f: {  	_ =	swait.ge [sflag:s22], $0x8000  }
0xa0: {  	s28 =	sadd.s32 $0x200, s28;
	s0 =	sshll.u32 s7, $0x4;
	[sflag:s22] =	ssyncset.done $0x0  }
0xa1: {  	s26 =	sadd.s32 $0x200, s26;
	s0 =	sadd.s32 s8, s0;
	[sflag:s22] =	ssyncadd.s32 $0xFFFF8000  }
0xa2: {  	[hbm4b:s0+s3] =	stream.linear.scatter [tilespmem:s19], [sflag:$0x4], $0x8000, $0x38;
	[tilespmem:$0x15100] =	vst v63  }
0xa3: {  	s25 =	sadd.s32 $0x1, s25  }
0xa4: {  	_ =	swait.ge [sflag:s23], $0x8000;
	p0 =	sne.s32 s25, s11  }
.Ltmp3:
0xa5: {  	[sflag:s23] =	ssyncset.done $0x0;
	(pc) =	sbr.rel @p0 .LBB2_1-.Ltmp3, $4  }
0xa6: {  	[sflag:s23] =	ssyncadd.s32 $0xFFFF8000  }
0xa7: {  	_ =	swait.ge [sflag:s24], $0x8000  }
0xa8: {  	[sflag:s24] =	ssyncset.done $0x0  }
0xa9: {  	[sflag:s24] =	ssyncadd.s32 $0xFFFF8000  }
0xaa: {  	_ =	sfence.sel $0x180000  }
0xab: {  	[bflag:$0x0] =	sbarrier.arrive $0xFFFF  }
0xac: {  	_ =	strace $0x90000047  }
0xad: {  	s0 =	stileid.u32;
	[bflag:$0x2] =	sbarrier.arrive $0xFFFF  }
0xae: {  	p0 =	sne.s32 s0, $0x0;
	s0 =	rddreg [dreg:$0x2]  }
0xaf: {  	s0 =	sadd.s32 @!p0 $0x100000, s0  }
0xb0: {  	[sflag:s0] =	ssyncadd.tile.s32 @!p0 $0x1;
	_ =	shalt  }
.Lfunc_end2:
_tile_overlayer_lowered:
.L_overlay_start_2:
0xb1: {  	(tag) =	ssettag $0x2  }
0xb2: {  	s0 =	rddreg [dreg:$0x0];
	s2 =	stileid.u32  }
0xb3: {  	s1 =	rddreg [dreg:$0x1];
	p0 =	sne.s32 s2, $0x0  }
0xb4: {  	s3 =	rddreg [dreg:$0x2];
	[bflag:$0x3] =	sbarrier.arrive $0xFFFF;
	s2 =	simm.s32 @!p0 $0x1C05  }
0xb5: {  	[timem:s3], [sflag:s2] =	dma.local @!p0 [hbm:s0], s1  }
0xb6: {  	s0 =	simm.s32 @!p0 $0x5  }
0xb7: {  	_ =	swait.ge @!p0 [sflag:s0], s1  }
0xb8: {  	s1 =	ssub.s32 @!p0 $0x0, s1;
	[sflag:s0] =	ssyncset.done @!p0 $0x0  }
0xb9: {  	[sflag:s0] =	ssyncadd.s32 @!p0 s1  }
0xba: {  	[bflag:$0x3] =	sbarrier.arrive $0xFFFF  }
0xbb: {  	_ =	shalt  }

</sc_bundles>
